<compile_context>
chip_gen: v7x
topology: tpu7x:2x2x1
jax: 0.10.2.dev20260603
libtpu: 0.0.44.dev20260713+nightly
codegen_flags: <defaults>
</compile_context>

<pallas_src>
import functools

import jax
import jax.numpy as jnp
from jax import lax
from jax.experimental import pallas as pl
from jax.experimental.pallas import tpu as pltpu
from jax.experimental.pallas import tpu_sc as plsc

NC = 2
NS = 16
NW = NC * NS
EB = 128

_mesh = plsc.VectorSubcoreMesh(core_axis_name="c", subcore_axis_name="s")


def _make_sc_agg(n, h, blocks, npad, bpp):
    zrows = npad // NS
    phases = blocks // bpp

    @functools.partial(
        pl.kernel,
        out_type=jax.ShapeDtypeStruct((NC, npad, h), jnp.float32),
        mesh=_mesh,
        scratch_types=[
            pltpu.VMEM((bpp, EB), jnp.int32),
            pltpu.VMEM((bpp, EB), jnp.int32),
            pltpu.VMEM((EB, h), jnp.float32),
            pltpu.VMEM((EB, h), jnp.float32),
            pltpu.VMEM_SHARED((npad, h), jnp.float32),
            pltpu.SemaphoreType.DMA,
            pltpu.SemaphoreType.DMA,
            pltpu.SemaphoreType.DMA,
            pltpu.SemaphoreType.DMA,
        ],
    )
    def sc_agg(h_hbm, src_hbm, dst_hbm, zeros_hbm, out_hbm,
               src_v, dst_v, rows0_v, rows1_v, agg_sh, sem0, sem1,
               sem2, sem3):
        cid = lax.axis_index("c")
        sid = lax.axis_index("s")
        wid = cid * NS + sid
        pltpu.sync_copy(zeros_hbm.at[pl.ds(sid * zrows, zrows)],
                        agg_sh.at[pl.ds(sid * zrows, zrows)])
        plsc.subcore_barrier()

        @pl.loop(0, phases)
        def _(ph):
            base = ph * bpp
            pltpu.sync_copy(src_hbm.at[wid, pl.ds(base, bpp)], src_v)
            pltpu.sync_copy(dst_hbm.at[wid, pl.ds(base, bpp)], dst_v)

            @pl.loop(0, bpp // 2)
            def _(i):
                b = 2 * i
                cp0 = pltpu.async_copy(h_hbm.at[src_v.at[b]], rows0_v, sem0)
                cp1 = pltpu.async_copy(h_hbm.at[src_v.at[b + 1]], rows1_v,
                                       sem1)
                cp0.wait()
                sc0 = pltpu.async_copy(rows0_v, agg_sh.at[dst_v.at[b]], sem2,
                                       add=True)
                cp1.wait()
                sc1 = pltpu.async_copy(rows1_v, agg_sh.at[dst_v.at[b + 1]],
                                       sem3, add=True)
                sc0.wait()
                sc1.wait()

        plsc.subcore_barrier()
        pltpu.sync_copy(agg_sh.at[pl.ds(sid * zrows, zrows)],
                        out_hbm.at[cid, pl.ds(sid * zrows, zrows)])

    return sc_agg


def _tc_layer_body(h_ref, p0_ref, p1_ref, w1_ref, b1_ref, g1_ref, bt1_ref,
                   w2_ref, b2_ref, o_ref):
    n = h_ref.shape[0]
    z = h_ref[...] + p0_ref[:n, :] + p1_ref[:n, :]
    z = jnp.dot(z, w1_ref[...], preferred_element_type=jnp.float32) + b1_ref[...]
    z = jnp.where(z >= 0, z, 0.2 * z)
    m = jnp.mean(z, axis=0)
    v = jnp.mean((z - m) ** 2, axis=0)
    z = (z - m) * lax.rsqrt(v + 1e-5) * g1_ref[...] + bt1_ref[...]
    z = jnp.dot(z, w2_ref[...], preferred_element_type=jnp.float32) + b2_ref[...]
    o_ref[...] = jnp.where(z >= 0, z, 0.2 * z)


def _tc_last_body(h_ref, p0_ref, p1_ref, w1_ref, b1_ref, g1_ref, bt1_ref,
                  w2_ref, b2_ref, batch_ref, g_ref, b_ref, fcw_ref, fcb_ref,
                  o_ref):
    n = h_ref.shape[0]
    z = h_ref[...] + p0_ref[:n, :] + p1_ref[:n, :]
    z = jnp.dot(z, w1_ref[...], preferred_element_type=jnp.float32) + b1_ref[...]
    z = jnp.where(z >= 0, z, 0.2 * z)
    m = jnp.mean(z, axis=0)
    v = jnp.mean((z - m) ** 2, axis=0)
    z = (z - m) * lax.rsqrt(v + 1e-5) * g1_ref[...] + bt1_ref[...]
    z = jnp.dot(z, w2_ref[...], preferred_element_type=jnp.float32) + b2_ref[...]
    z = jnp.where(z >= 0, z, 0.2 * z)
    g = o_ref.shape[0]
    seg = lax.broadcasted_iota(jnp.int32, (g, n), 0)
    oh = (seg == batch_ref[...]).astype(jnp.float32)
    pooled = jnp.dot(oh, z, preferred_element_type=jnp.float32)
    m = jnp.mean(pooled, axis=0)
    v = jnp.mean((pooled - m) ** 2, axis=0)
    pb = (pooled - m) * lax.rsqrt(v + 1e-5) * g_ref[...] + b_ref[...]
    o_ref[...] = jnp.dot(pb, fcw_ref[...],
                         preferred_element_type=jnp.float32) + fcb_ref[...]


def kernel(x, edge_index, batch, params):
    n, d = x.shape
    e = edge_index.shape[1]
    g = 16
    chunk = 2 * NW * EB
    epad = ((e + chunk - 1) // chunk) * chunk
    blocks = epad // (NW * EB)
    npad = ((n + 8 * NS) // (8 * NS)) * (8 * NS)

    src = edge_index[0]
    dst = edge_index[1]
    pad = epad - e
    pad_ids = jnp.arange(pad, dtype=jnp.int32)
    src_p = jnp.concatenate([src, pad_ids % n]).reshape(NW, blocks, EB)
    dst_p = jnp.concatenate(
        [dst, n + pad_ids % (npad - n)]).reshape(NW, blocks, EB)
    zeros_init = jnp.zeros((npad, d), jnp.float32)

    bpp = blocks // 2
    sc_agg = _make_sc_agg(n, d, blocks, npad, bpp)

    tc_layer = pl.pallas_call(
        _tc_layer_body,
        out_shape=jax.ShapeDtypeStruct((n, d), jnp.float32),
    )
    tc_last = pl.pallas_call(
        _tc_last_body,
        out_shape=jax.ShapeDtypeStruct((g, params['fc_W'].shape[1]),
                                       jnp.float32),
    )

    h = x
    for l in range(2):
        p = params['conv%d' % l]
        parts = sc_agg(h, src_p, dst_p, zeros_init)
        h = tc_layer(h, parts[0], parts[1], p['W1'], p['b1'], p['g1'],
                     p['bt1'], p['W2'], p['b2'])
    p = params['conv2']
    parts = sc_agg(h, src_p, dst_p, zeros_init)
    out = tc_last(h, parts[0], parts[1], p['W1'], p['b1'], p['g1'],
                  p['bt1'], p['W2'], p['b2'],
                  batch.reshape(1, n).astype(jnp.int32),
                  params['bn_g'], params['bn_b'],
                  params['fc_W'], params['fc_b'])
    return out

# --- scband reference (transcript-rebuilt; emitter-appended) ---
"""Pipeline reference for scband-variational-auto-encoder-with-info-nce-39565238731353 (READ-ONLY COPY).

The authoritative reference and input builder live on the scoring server;
editing this copy changes nothing except your own understanding.
"""

import jax, jax.numpy as jnp
import numpy as np

N = 10000
E = 320000
D = 128
H = 128
L = 64
G = 16
N_LAYERS = 3


def _lin(k, fan_in, fan_out):
    return jax.random.normal(k, (fan_in, fan_out), jnp.float32) * (1.0 / np.sqrt(fan_in))


def _init_params(key):
    ks = jax.random.split(key, 2 * N_LAYERS + 2)
    params = {}
    dims = [D] + [H] * (N_LAYERS - 1)
    i = 0
    for l, din in enumerate(dims):
        params['conv%d' % l] = {
            'W1': _lin(ks[i], din, H), 'b1': jnp.zeros((H,), jnp.float32),
            'g1': jnp.ones((H,), jnp.float32), 'bt1': jnp.zeros((H,), jnp.float32),
            'W2': _lin(ks[i + 1], H, H), 'b2': jnp.zeros((H,), jnp.float32),
        }
        i += 2
    params['bn_g'] = jnp.ones((H,), jnp.float32)
    params['bn_b'] = jnp.zeros((H,), jnp.float32)
    params['fc_W'] = _lin(ks[i], H, L)
    params['fc_b'] = jnp.zeros((L,), jnp.float32)
    return params


def setup_inputs(seed: int = 0) -> dict:
    key = jax.random.key(seed)
    k1, k2, k3, k4 = jax.random.split(key, 4)
    x = jax.random.normal(k1, (N, D), jnp.float32)
    edge_index = jax.random.randint(k2, (2, E), 0, N, jnp.int32)
    batch = jnp.sort(jax.random.randint(k3, (N,), 0, G, jnp.int32))
    params = _init_params(k4)
    return {'x': x, 'edge_index': edge_index, 'batch': batch, 'params': params}


def _leaky(z):
    return jnp.where(z >= 0, z, 0.2 * z)


def _bn(h, g, b):
    m = h.mean(axis=0)
    v = h.var(axis=0)
    return (h - m) / jnp.sqrt(v + 1e-5) * g + b


def _forward(x, params, edge_index, batch):
    # GIN encoder: sum-aggregate message passing + MLP (Linear-LeakyReLU-BN-Linear-LeakyReLU)
    src = edge_index[0]
    dst = edge_index[1]
    h = x
    for l in range(N_LAYERS):
        p = params['conv%d' % l]
        agg = jnp.zeros_like(h).at[dst].add(h[src])  # scatter-add neighbor sum (eps=0 in GINConv)
        z = h + agg
        z = z @ p['W1'] + p['b1']
        z = _leaky(z)
        z = _bn(z, p['g1'], p['bt1'])
        z = z @ p['W2'] + p['b2']
        z = _leaky(z)
        h = z
        # dropout is identity in eval mode
    pooled = jax.ops.segment_sum(h, batch, num_segments=G)  # global_add_pool
    pooled = _bn(pooled, params['bn_g'], params['bn_b'])
    out = pooled @ params['fc_W'] + params['fc_b']
    return out


def reference(x, edge_index, batch, params):
    return _forward(x, params, edge_index, batch)

if __name__ == "__main__":
    import jax
    _d = setup_inputs()
    print(jax.jit(kernel)(*tuple(_d.values())))

</pallas_src>

<mosaic_0001>
#map = affine_map<(d0, d1) -> (0, 0)>
#map1 = affine_map<(d0, d1) -> (0, 0, 0)>
module attributes {stable_mosaic.version = 14 : i64} {
  func.func @sc_agg(%arg0: i32, %arg1: i32, %arg2: memref<10000x128xf32, #tpu.memory_space<hbm>>, %arg3: memref<32x80x128xi32, #tpu.memory_space<hbm>>, %arg4: memref<32x80x128xi32, #tpu.memory_space<hbm>>, %arg5: memref<10112x128xf32, #tpu.memory_space<hbm>>, %arg6: memref<2x10112x128xf32, #tpu.memory_space<hbm>>, %arg7: memref<40x128xi32, #tpu.memory_space<vmem>>, %arg8: memref<40x128xi32, #tpu.memory_space<vmem>>, %arg9: memref<128x128xf32, #tpu.memory_space<vmem>>, %arg10: memref<128x128xf32, #tpu.memory_space<vmem>>, %arg11: memref<10112x128xf32, #tpu.memory_space<vmem_shared>>, %arg12: memref<!tpu.dma_semaphore, #tpu.memory_space<semaphore_mem>>, %arg13: memref<!tpu.dma_semaphore, #tpu.memory_space<semaphore_mem>>, %arg14: memref<!tpu.dma_semaphore, #tpu.memory_space<semaphore_mem>>, %arg15: memref<!tpu.dma_semaphore, #tpu.memory_space<semaphore_mem>>) attributes {dimension_semantics = [#tpu.dimension_semantics<core_parallel>, #tpu.dimension_semantics<subcore_parallel>], iteration_bounds = array<i64: 2, 16>, scalar_prefetch = 0 : i64, scratch_operands = 9 : i64, tpu.core_type = #tpu.core_type<sc_vector_subcore>, window_params = [{transform_indices = #map}, {transform_indices = #map1}, {transform_indices = #map1}, {transform_indices = #map}, {transform_indices = #map1}]} {
    %mul3A = arith.constant 16 : i32
    %mul3A_0 = arith.muli %arg0, %mul3A : i32
    %add3A = arith.addi %mul3A_0, %arg1 : i32
    %mul3A_1 = arith.constant 632 : i32
    %mul3A_2 = arith.muli %arg1, %mul3A_1 : i32
    %mul3A_3 = arith.constant 632 : i32
    %mul3A_4 = arith.muli %arg1, %mul3A_3 : i32
    "tpu.region"() ({
      %run_scoped3A = tpu.sem_alloc : memref<!tpu.dma_semaphore, #tpu.memory_space<semaphore_mem>>
      %dma_start3A = arith.constant 0 : i32
      %dma_start3A_14 = tpu.memref_slice %arg11[%mul3A_4, %dma_start3A] : memref<10112x128xf32, #tpu.memory_space<vmem_shared>> -> memref<632x128xf32, #tpu.memory_space<vmem_shared>>
      %dma_start3A_15 = arith.constant 0 : i32
      %dma_start3A_16 = tpu.memref_slice %arg5[%mul3A_2, %dma_start3A_15] : memref<10112x128xf32, #tpu.memory_space<hbm>> -> memref<632x128xf32, #tpu.memory_space<hbm>>
      tpu.enqueue_dma source(%dma_start3A_16 : memref<632x128xf32, #tpu.memory_space<hbm>>) target(%dma_start3A_14 : memref<632x128xf32, #tpu.memory_space<vmem_shared>>) target_semaphore(%run_scoped3A : memref<!tpu.dma_semaphore, #tpu.memory_space<semaphore_mem>>)
      %dma_wait3A = arith.constant 0 : i32
      %dma_wait3A_17 = tpu.memref_slice %arg11[%mul3A_4, %dma_wait3A] : memref<10112x128xf32, #tpu.memory_space<vmem_shared>> -> memref<632x128xf32, #tpu.memory_space<vmem_shared>>
      %dma_wait3A_18 = arith.constant 0 : i32
      %dma_wait3A_19 = tpu.memref_slice %arg5[%mul3A_2, %dma_wait3A_18] : memref<10112x128xf32, #tpu.memory_space<hbm>> -> memref<632x128xf32, #tpu.memory_space<hbm>>
      tpu.wait_dma2 semaphore(%run_scoped3A : memref<!tpu.dma_semaphore, #tpu.memory_space<semaphore_mem>>) src(%dma_wait3A_19 : memref<632x128xf32, #tpu.memory_space<hbm>>) dst(%dma_wait3A_17 : memref<632x128xf32, #tpu.memory_space<vmem_shared>>)
      tpu.yield
    }) : () -> ()
    %barrier3A = arith.constant 0 : index
    tpu.barrier barrier_id(%barrier3A)
    %scan3A = arith.constant 0 : i32
    %scan3A_5 = arith.constant 2 : i32
    %scan3A_6 = arith.addi %scan3A, %scan3A_5 : i32
    %scan3A_7 = arith.constant 1 : i32
    scf.for %scan3A_14 = %scan3A to %scan3A_6 step %scan3A_7  : i32 {
      %mul3A_15 = arith.constant 1 : i32
      %mul3A_16 = arith.muli %scan3A_14, %mul3A_15 : i32
      %add3A_17 = arith.constant 0 : i32
      %add3A_18 = arith.addi %add3A_17, %mul3A_16 : i32
      %mul3A_19 = arith.constant 40 : i32
      %mul3A_20 = arith.muli %add3A_18, %mul3A_19 : i32
      "tpu.region"() ({
        %run_scoped3A = tpu.sem_alloc : memref<!tpu.dma_semaphore, #tpu.memory_space<semaphore_mem>>
        %dma_start3A = arith.constant 0 : i32
        %dma_start3A_26 = tpu.memref_slice %arg3[%add3A, %mul3A_20, %dma_start3A] : memref<32x80x128xi32, #tpu.memory_space<hbm>> -> memref<1x40x128xi32, #tpu.memory_space<hbm>>
        %dma_start3A_27 = tpu.memref_squeeze %dma_start3A_26 : memref<1x40x128xi32, #tpu.memory_space<hbm>> -> memref<40x128xi32, #tpu.memory_space<hbm>>
        %dma_start3A_28 = arith.constant 0 : i32
        %dma_start3A_29 = tpu.memref_slice %arg3[%add3A, %mul3A_20, %dma_start3A_28] : memref<32x80x128xi32, #tpu.memory_space<hbm>> -> memref<1x40x128xi32, #tpu.memory_space<hbm>>
        %dma_start3A_30 = tpu.memref_squeeze %dma_start3A_29 : memref<1x40x128xi32, #tpu.memory_space<hbm>> -> memref<40x128xi32, #tpu.memory_space<hbm>>
        tpu.enqueue_dma source(%dma_start3A_30 : memref<40x128xi32, #tpu.memory_space<hbm>>) target(%arg7 : memref<40x128xi32, #tpu.memory_space<vmem>>) target_semaphore(%run_scoped3A : memref<!tpu.dma_semaphore, #tpu.memory_space<semaphore_mem>>)
        %dma_wait3A = arith.constant 0 : i32
        %dma_wait3A_31 = tpu.memref_slice %arg3[%add3A, %mul3A_20, %dma_wait3A] : memref<32x80x128xi32, #tpu.memory_space<hbm>> -> memref<1x40x128xi32, #tpu.memory_space<hbm>>
        %dma_wait3A_32 = tpu.memref_squeeze %dma_wait3A_31 : memref<1x40x128xi32, #tpu.memory_space<hbm>> -> memref<40x128xi32, #tpu.memory_space<hbm>>
        %dma_wait3A_33 = arith.constant 0 : i32
        %dma_wait3A_34 = tpu.memref_slice %arg3[%add3A, %mul3A_20, %dma_wait3A_33] : memref<32x80x128xi32, #tpu.memory_space<hbm>> -> memref<1x40x128xi32, #tpu.memory_space<hbm>>
        %dma_wait3A_35 = tpu.memref_squeeze %dma_wait3A_34 : memref<1x40x128xi32, #tpu.memory_space<hbm>> -> memref<40x128xi32, #tpu.memory_space<hbm>>
        tpu.wait_dma2 semaphore(%run_scoped3A : memref<!tpu.dma_semaphore, #tpu.memory_space<semaphore_mem>>) src(%dma_wait3A_35 : memref<40x128xi32, #tpu.memory_space<hbm>>) dst(%arg7 : memref<40x128xi32, #tpu.memory_space<vmem>>)
        tpu.yield
      }) : () -> ()
      "tpu.region"() ({
        %run_scoped3A = tpu.sem_alloc : memref<!tpu.dma_semaphore, #tpu.memory_space<semaphore_mem>>
        %dma_start3A = arith.constant 0 : i32
        %dma_start3A_26 = tpu.memref_slice %arg4[%add3A, %mul3A_20, %dma_start3A] : memref<32x80x128xi32, #tpu.memory_space<hbm>> -> memref<1x40x128xi32, #tpu.memory_space<hbm>>
        %dma_start3A_27 = tpu.memref_squeeze %dma_start3A_26 : memref<1x40x128xi32, #tpu.memory_space<hbm>> -> memref<40x128xi32, #tpu.memory_space<hbm>>
        %dma_start3A_28 = arith.constant 0 : i32
        %dma_start3A_29 = tpu.memref_slice %arg4[%add3A, %mul3A_20, %dma_start3A_28] : memref<32x80x128xi32, #tpu.memory_space<hbm>> -> memref<1x40x128xi32, #tpu.memory_space<hbm>>
        %dma_start3A_30 = tpu.memref_squeeze %dma_start3A_29 : memref<1x40x128xi32, #tpu.memory_space<hbm>> -> memref<40x128xi32, #tpu.memory_space<hbm>>
        tpu.enqueue_dma source(%dma_start3A_30 : memref<40x128xi32, #tpu.memory_space<hbm>>) target(%arg8 : memref<40x128xi32, #tpu.memory_space<vmem>>) target_semaphore(%run_scoped3A : memref<!tpu.dma_semaphore, #tpu.memory_space<semaphore_mem>>)
        %dma_wait3A = arith.constant 0 : i32
        %dma_wait3A_31 = tpu.memref_slice %arg4[%add3A, %mul3A_20, %dma_wait3A] : memref<32x80x128xi32, #tpu.memory_space<hbm>> -> memref<1x40x128xi32, #tpu.memory_space<hbm>>
        %dma_wait3A_32 = tpu.memref_squeeze %dma_wait3A_31 : memref<1x40x128xi32, #tpu.memory_space<hbm>> -> memref<40x128xi32, #tpu.memory_space<hbm>>
        %dma_wait3A_33 = arith.constant 0 : i32
        %dma_wait3A_34 = tpu.memref_slice %arg4[%add3A, %mul3A_20, %dma_wait3A_33] : memref<32x80x128xi32, #tpu.memory_space<hbm>> -> memref<1x40x128xi32, #tpu.memory_space<hbm>>
        %dma_wait3A_35 = tpu.memref_squeeze %dma_wait3A_34 : memref<1x40x128xi32, #tpu.memory_space<hbm>> -> memref<40x128xi32, #tpu.memory_space<hbm>>
        tpu.wait_dma2 semaphore(%run_scoped3A : memref<!tpu.dma_semaphore, #tpu.memory_space<semaphore_mem>>) src(%dma_wait3A_35 : memref<40x128xi32, #tpu.memory_space<hbm>>) dst(%arg8 : memref<40x128xi32, #tpu.memory_space<vmem>>)
        tpu.yield
      }) : () -> ()
      %scan3A_21 = arith.constant 0 : i32
      %scan3A_22 = arith.constant 20 : i32
      %scan3A_23 = arith.addi %scan3A_21, %scan3A_22 : i32
      %scan3A_24 = arith.constant 1 : i32
      scf.for %scan3A_26 = %scan3A_21 to %scan3A_23 step %scan3A_24  : i32 {
        %mul3A_27 = arith.constant 1 : i32
        %mul3A_28 = arith.muli %scan3A_26, %mul3A_27 : i32
        %add3A_29 = arith.constant 0 : i32
        %add3A_30 = arith.addi %add3A_29, %mul3A_28 : i32
        %mul3A_31 = arith.constant 2 : i32
        %mul3A_32 = arith.muli %mul3A_31, %add3A_30 : i32
        %dma_start3A = arith.constant 0 : i32
        %dma_start3A_33 = tpu.memref_slice %arg7[%mul3A_32, %dma_start3A] : memref<40x128xi32, #tpu.memory_space<vmem>> -> memref<1x128xi32, #tpu.memory_space<vmem>>
        %dma_start3A_34 = tpu.memref_squeeze %dma_start3A_33 : memref<1x128xi32, #tpu.memory_space<vmem>> -> memref<128xi32, #tpu.memory_space<vmem>>
        %dma_start3A_35 = arith.constant 0 : i32
        %dma_start3A_36 = arith.constant 0 : i32
        %dma_start3A_37 = tpu.memref_slice %arg2[%dma_start3A_35, %dma_start3A_36] : memref<10000x128xf32, #tpu.memory_space<hbm>> -> memref<10000x128xf32, #tpu.memory_space<hbm>>
        tpu.enqueue_indirect_dma source(%dma_start3A_37 : memref<10000x128xf32, #tpu.memory_space<hbm>>) target(%arg9 : memref<128x128xf32, #tpu.memory_space<vmem>>) offsets(%dma_start3A_34 : memref<128xi32, #tpu.memory_space<vmem>>) semaphore(%arg12 : memref<!tpu.dma_semaphore, #tpu.memory_space<semaphore_mem>>)
        %add3A_38 = arith.constant 1 : i32
        %add3A_39 = arith.addi %mul3A_32, %add3A_38 : i32
        %dma_start3A_40 = arith.constant 0 : i32
        %dma_start3A_41 = tpu.memref_slice %arg7[%add3A_39, %dma_start3A_40] : memref<40x128xi32, #tpu.memory_space<vmem>> -> memref<1x128xi32, #tpu.memory_space<vmem>>
        %dma_start3A_42 = tpu.memref_squeeze %dma_start3A_41 : memref<1x128xi32, #tpu.memory_space<vmem>> -> memref<128xi32, #tpu.memory_space<vmem>>
        %dma_start3A_43 = arith.constant 0 : i32
        %dma_start3A_44 = arith.constant 0 : i32
        %dma_start3A_45 = tpu.memref_slice %arg2[%dma_start3A_43, %dma_start3A_44] : memref<10000x128xf32, #tpu.memory_space<hbm>> -> memref<10000x128xf32, #tpu.memory_space<hbm>>
        tpu.enqueue_indirect_dma source(%dma_start3A_45 : memref<10000x128xf32, #tpu.memory_space<hbm>>) target(%arg10 : memref<128x128xf32, #tpu.memory_space<vmem>>) offsets(%dma_start3A_42 : memref<128xi32, #tpu.memory_space<vmem>>) semaphore(%arg13 : memref<!tpu.dma_semaphore, #tpu.memory_space<semaphore_mem>>)
        %dma_wait3A = arith.constant 0 : i32
        %dma_wait3A_46 = tpu.memref_slice %arg7[%mul3A_32, %dma_wait3A] : memref<40x128xi32, #tpu.memory_space<vmem>> -> memref<1x128xi32, #tpu.memory_space<vmem>>
        %dma_wait3A_47 = tpu.memref_squeeze %dma_wait3A_46 : memref<1x128xi32, #tpu.memory_space<vmem>> -> memref<128xi32, #tpu.memory_space<vmem>>
        %dma_wait3A_48 = arith.constant 0 : i32
        %dma_wait3A_49 = arith.constant 0 : i32
        %dma_wait3A_50 = tpu.memref_slice %arg2[%dma_wait3A_48, %dma_wait3A_49] : memref<10000x128xf32, #tpu.memory_space<hbm>> -> memref<10000x128xf32, #tpu.memory_space<hbm>>
        tpu.wait_indirect_dma semaphore(%arg12 : memref<!tpu.dma_semaphore, #tpu.memory_space<semaphore_mem>>) src(%dma_wait3A_50 : memref<10000x128xf32, #tpu.memory_space<hbm>>) dst(%arg9 : memref<128x128xf32, #tpu.memory_space<vmem>>)
        %dma_start3A_51 = arith.constant 0 : i32
        %dma_start3A_52 = tpu.memref_slice %arg8[%mul3A_32, %dma_start3A_51] : memref<40x128xi32, #tpu.memory_space<vmem>> -> memref<1x128xi32, #tpu.memory_space<vmem>>
        %dma_start3A_53 = tpu.memref_squeeze %dma_start3A_52 : memref<1x128xi32, #tpu.memory_space<vmem>> -> memref<128xi32, #tpu.memory_space<vmem>>
        %dma_start3A_54 = arith.constant 0 : i32
        %dma_start3A_55 = arith.constant 0 : i32
        %dma_start3A_56 = tpu.memref_slice %arg11[%dma_start3A_54, %dma_start3A_55] : memref<10112x128xf32, #tpu.memory_space<vmem_shared>> -> memref<10112x128xf32, #tpu.memory_space<vmem_shared>>
        tpu.enqueue_indirect_dma source(%arg9 : memref<128x128xf32, #tpu.memory_space<vmem>>) target(%dma_start3A_56 : memref<10112x128xf32, #tpu.memory_space<vmem_shared>>) offsets(%dma_start3A_53 : memref<128xi32, #tpu.memory_space<vmem>>) semaphore(%arg14 : memref<!tpu.dma_semaphore, #tpu.memory_space<semaphore_mem>>) {add = true}
        %dma_wait3A_57 = arith.constant 0 : i32
        %dma_wait3A_58 = tpu.memref_slice %arg7[%add3A_39, %dma_wait3A_57] : memref<40x128xi32, #tpu.memory_space<vmem>> -> memref<1x128xi32, #tpu.memory_space<vmem>>
        %dma_wait3A_59 = tpu.memref_squeeze %dma_wait3A_58 : memref<1x128xi32, #tpu.memory_space<vmem>> -> memref<128xi32, #tpu.memory_space<vmem>>
        %dma_wait3A_60 = arith.constant 0 : i32
        %dma_wait3A_61 = arith.constant 0 : i32
        %dma_wait3A_62 = tpu.memref_slice %arg2[%dma_wait3A_60, %dma_wait3A_61] : memref<10000x128xf32, #tpu.memory_space<hbm>> -> memref<10000x128xf32, #tpu.memory_space<hbm>>
        tpu.wait_indirect_dma semaphore(%arg13 : memref<!tpu.dma_semaphore, #tpu.memory_space<semaphore_mem>>) src(%dma_wait3A_62 : memref<10000x128xf32, #tpu.memory_space<hbm>>) dst(%arg10 : memref<128x128xf32, #tpu.memory_space<vmem>>)
        %add3A_63 = arith.constant 1 : i32
        %add3A_64 = arith.addi %mul3A_32, %add3A_63 : i32
        %dma_start3A_65 = arith.constant 0 : i32
        %dma_start3A_66 = tpu.memref_slice %arg8[%add3A_64, %dma_start3A_65] : memref<40x128xi32, #tpu.memory_space<vmem>> -> memref<1x128xi32, #tpu.memory_space<vmem>>
        %dma_start3A_67 = tpu.memref_squeeze %dma_start3A_66 : memref<1x128xi32, #tpu.memory_space<vmem>> -> memref<128xi32, #tpu.memory_space<vmem>>
        %dma_start3A_68 = arith.constant 0 : i32
        %dma_start3A_69 = arith.constant 0 : i32
        %dma_start3A_70 = tpu.memref_slice %arg11[%dma_start3A_68, %dma_start3A_69] : memref<10112x128xf32, #tpu.memory_space<vmem_shared>> -> memref<10112x128xf32, #tpu.memory_space<vmem_shared>>
        tpu.enqueue_indirect_dma source(%arg10 : memref<128x128xf32, #tpu.memory_space<vmem>>) target(%dma_start3A_70 : memref<10112x128xf32, #tpu.memory_space<vmem_shared>>) offsets(%dma_start3A_67 : memref<128xi32, #tpu.memory_space<vmem>>) semaphore(%arg15 : memref<!tpu.dma_semaphore, #tpu.memory_space<semaphore_mem>>) {add = true}
        %dma_wait3A_71 = arith.constant 0 : i32
        %dma_wait3A_72 = tpu.memref_slice %arg8[%mul3A_32, %dma_wait3A_71] : memref<40x128xi32, #tpu.memory_space<vmem>> -> memref<1x128xi32, #tpu.memory_space<vmem>>
        %dma_wait3A_73 = tpu.memref_squeeze %dma_wait3A_72 : memref<1x128xi32, #tpu.memory_space<vmem>> -> memref<128xi32, #tpu.memory_space<vmem>>
        %dma_wait3A_74 = arith.constant 0 : i32
        %dma_wait3A_75 = arith.constant 0 : i32
        %dma_wait3A_76 = tpu.memref_slice %arg11[%dma_wait3A_74, %dma_wait3A_75] : memref<10112x128xf32, #tpu.memory_space<vmem_shared>> -> memref<10112x128xf32, #tpu.memory_space<vmem_shared>>
        tpu.wait_indirect_dma semaphore(%arg14 : memref<!tpu.dma_semaphore, #tpu.memory_space<semaphore_mem>>) src(%arg9 : memref<128x128xf32, #tpu.memory_space<vmem>>) dst(%dma_wait3A_76 : memref<10112x128xf32, #tpu.memory_space<vmem_shared>>)
        %dma_wait3A_77 = arith.constant 0 : i32
        %dma_wait3A_78 = tpu.memref_slice %arg8[%add3A_64, %dma_wait3A_77] : memref<40x128xi32, #tpu.memory_space<vmem>> -> memref<1x128xi32, #tpu.memory_space<vmem>>
        %dma_wait3A_79 = tpu.memref_squeeze %dma_wait3A_78 : memref<1x128xi32, #tpu.memory_space<vmem>> -> memref<128xi32, #tpu.memory_space<vmem>>
        %dma_wait3A_80 = arith.constant 0 : i32
        %dma_wait3A_81 = arith.constant 0 : i32
        %dma_wait3A_82 = tpu.memref_slice %arg11[%dma_wait3A_80, %dma_wait3A_81] : memref<10112x128xf32, #tpu.memory_space<vmem_shared>> -> memref<10112x128xf32, #tpu.memory_space<vmem_shared>>
        tpu.wait_indirect_dma semaphore(%arg15 : memref<!tpu.dma_semaphore, #tpu.memory_space<semaphore_mem>>) src(%arg10 : memref<128x128xf32, #tpu.memory_space<vmem>>) dst(%dma_wait3A_82 : memref<10112x128xf32, #tpu.memory_space<vmem_shared>>)
      }
      %scan3A_25 = arith.constant 20 : i32
    }
    %scan3A_8 = arith.constant 2 : i32
    %barrier3A_9 = arith.constant 0 : index
    tpu.barrier barrier_id(%barrier3A_9)
    %mul3A_10 = arith.constant 632 : i32
    %mul3A_11 = arith.muli %arg1, %mul3A_10 : i32
    %mul3A_12 = arith.constant 632 : i32
    %mul3A_13 = arith.muli %arg1, %mul3A_12 : i32
    "tpu.region"() ({
      %run_scoped3A = tpu.sem_alloc : memref<!tpu.dma_semaphore, #tpu.memory_space<semaphore_mem>>
      %dma_start3A = arith.constant 0 : i32
      %dma_start3A_14 = tpu.memref_slice %arg6[%arg0, %mul3A_13, %dma_start3A] : memref<2x10112x128xf32, #tpu.memory_space<hbm>> -> memref<1x632x128xf32, #tpu.memory_space<hbm>>
      %dma_start3A_15 = tpu.memref_squeeze %dma_start3A_14 : memref<1x632x128xf32, #tpu.memory_space<hbm>> -> memref<632x128xf32, #tpu.memory_space<hbm>>
      %dma_start3A_16 = arith.constant 0 : i32
      %dma_start3A_17 = tpu.memref_slice %arg11[%mul3A_11, %dma_start3A_16] : memref<10112x128xf32, #tpu.memory_space<vmem_shared>> -> memref<632x128xf32, #tpu.memory_space<vmem_shared>>
      tpu.enqueue_dma source(%dma_start3A_17 : memref<632x128xf32, #tpu.memory_space<vmem_shared>>) target(%dma_start3A_15 : memref<632x128xf32, #tpu.memory_space<hbm>>) target_semaphore(%run_scoped3A : memref<!tpu.dma_semaphore, #tpu.memory_space<semaphore_mem>>)
      %dma_wait3A = arith.constant 0 : i32
      %dma_wait3A_18 = tpu.memref_slice %arg6[%arg0, %mul3A_13, %dma_wait3A] : memref<2x10112x128xf32, #tpu.memory_space<hbm>> -> memref<1x632x128xf32, #tpu.memory_space<hbm>>
      %dma_wait3A_19 = tpu.memref_squeeze %dma_wait3A_18 : memref<1x632x128xf32, #tpu.memory_space<hbm>> -> memref<632x128xf32, #tpu.memory_space<hbm>>
      %dma_wait3A_20 = arith.constant 0 : i32
      %dma_wait3A_21 = tpu.memref_slice %arg11[%mul3A_11, %dma_wait3A_20] : memref<10112x128xf32, #tpu.memory_space<vmem_shared>> -> memref<632x128xf32, #tpu.memory_space<vmem_shared>>
      tpu.wait_dma2 semaphore(%run_scoped3A : memref<!tpu.dma_semaphore, #tpu.memory_space<semaphore_mem>>) src(%dma_wait3A_21 : memref<632x128xf32, #tpu.memory_space<vmem_shared>>) dst(%dma_wait3A_19 : memref<632x128xf32, #tpu.memory_space<hbm>>)
      tpu.yield
    }) : () -> ()
    return
  }
}

#map = affine_map<(d0, d1) -> (0, 0)>
#map1 = affine_map<(d0, d1) -> (0, 0, 0)>
module attributes {stable_mosaic.version = 14 : i64} {
  func.func @sc_agg(%arg0: i32, %arg1: i32, %arg2: memref<10000x128xf32, #tpu.memory_space<hbm>>, %arg3: memref<32x80x128xi32, #tpu.memory_space<hbm>>, %arg4: memref<32x80x128xi32, #tpu.memory_space<hbm>>, %arg5: memref<10112x128xf32, #tpu.memory_space<hbm>>, %arg6: memref<2x10112x128xf32, #tpu.memory_space<hbm>>, %arg7: memref<40x128xi32, #tpu.memory_space<vmem>>, %arg8: memref<40x128xi32, #tpu.memory_space<vmem>>, %arg9: memref<128x128xf32, #tpu.memory_space<vmem>>, %arg10: memref<128x128xf32, #tpu.memory_space<vmem>>, %arg11: memref<10112x128xf32, #tpu.memory_space<vmem_shared>>, %arg12: memref<!tpu.dma_semaphore, #tpu.memory_space<semaphore_mem>>, %arg13: memref<!tpu.dma_semaphore, #tpu.memory_space<semaphore_mem>>, %arg14: memref<!tpu.dma_semaphore, #tpu.memory_space<semaphore_mem>>, %arg15: memref<!tpu.dma_semaphore, #tpu.memory_space<semaphore_mem>>) attributes {dimension_semantics = [#tpu.dimension_semantics<core_parallel>, #tpu.dimension_semantics<subcore_parallel>], iteration_bounds = array<i64: 2, 16>, scalar_prefetch = 0 : i64, scratch_operands = 9 : i64, tpu.core_type = #tpu.core_type<sc_vector_subcore>, window_params = [{transform_indices = #map}, {transform_indices = #map1}, {transform_indices = #map1}, {transform_indices = #map}, {transform_indices = #map1}]} {
    %mul3A = arith.constant 16 : i32
    %mul3A_0 = arith.muli %arg0, %mul3A : i32
    %add3A = arith.addi %mul3A_0, %arg1 : i32
    %mul3A_1 = arith.constant 632 : i32
    %mul3A_2 = arith.muli %arg1, %mul3A_1 : i32
    %mul3A_3 = arith.constant 632 : i32
    %mul3A_4 = arith.muli %arg1, %mul3A_3 : i32
    "tpu.region"() ({
      %run_scoped3A = tpu.sem_alloc : memref<!tpu.dma_semaphore, #tpu.memory_space<semaphore_mem>>
      %dma_start3A = arith.constant 0 : i32
      %dma_start3A_14 = tpu.memref_slice %arg11[%mul3A_4, %dma_start3A] : memref<10112x128xf32, #tpu.memory_space<vmem_shared>> -> memref<632x128xf32, #tpu.memory_space<vmem_shared>>
      %dma_start3A_15 = arith.constant 0 : i32
      %dma_start3A_16 = tpu.memref_slice %arg5[%mul3A_2, %dma_start3A_15] : memref<10112x128xf32, #tpu.memory_space<hbm>> -> memref<632x128xf32, #tpu.memory_space<hbm>>
      tpu.enqueue_dma source(%dma_start3A_16 : memref<632x128xf32, #tpu.memory_space<hbm>>) target(%dma_start3A_14 : memref<632x128xf32, #tpu.memory_space<vmem_shared>>) target_semaphore(%run_scoped3A : memref<!tpu.dma_semaphore, #tpu.memory_space<semaphore_mem>>)
      %dma_wait3A = arith.constant 0 : i32
      %dma_wait3A_17 = tpu.memref_slice %arg11[%mul3A_4, %dma_wait3A] : memref<10112x128xf32, #tpu.memory_space<vmem_shared>> -> memref<632x128xf32, #tpu.memory_space<vmem_shared>>
      %dma_wait3A_18 = arith.constant 0 : i32
      %dma_wait3A_19 = tpu.memref_slice %arg5[%mul3A_2, %dma_wait3A_18] : memref<10112x128xf32, #tpu.memory_space<hbm>> -> memref<632x128xf32, #tpu.memory_space<hbm>>
      tpu.wait_dma2 semaphore(%run_scoped3A : memref<!tpu.dma_semaphore, #tpu.memory_space<semaphore_mem>>) src(%dma_wait3A_19 : memref<632x128xf32, #tpu.memory_space<hbm>>) dst(%dma_wait3A_17 : memref<632x128xf32, #tpu.memory_space<vmem_shared>>)
      tpu.yield
    }) : () -> ()
    %barrier3A = arith.constant 0 : index
    tpu.barrier barrier_id(%barrier3A)
    %scan3A = arith.constant 0 : i32
    %scan3A_5 = arith.constant 2 : i32
    %scan3A_6 = arith.addi %scan3A, %scan3A_5 : i32
    %scan3A_7 = arith.constant 1 : i32
    scf.for %scan3A_14 = %scan3A to %scan3A_6 step %scan3A_7  : i32 {
      %mul3A_15 = arith.constant 1 : i32
      %mul3A_16 = arith.muli %scan3A_14, %mul3A_15 : i32
      %add3A_17 = arith.constant 0 : i32
      %add3A_18 = arith.addi %add3A_17, %mul3A_16 : i32
      %mul3A_19 = arith.constant 40 : i32
      %mul3A_20 = arith.muli %add3A_18, %mul3A_19 : i32
      "tpu.region"() ({
        %run_scoped3A = tpu.sem_alloc : memref<!tpu.dma_semaphore, #tpu.memory_space<semaphore_mem>>
        %dma_start3A = arith.constant 0 : i32
        %dma_start3A_26 = tpu.memref_slice %arg3[%add3A, %mul3A_20, %dma_start3A] : memref<32x80x128xi32, #tpu.memory_space<hbm>> -> memref<1x40x128xi32, #tpu.memory_space<hbm>>
        %dma_start3A_27 = tpu.memref_squeeze %dma_start3A_26 : memref<1x40x128xi32, #tpu.memory_space<hbm>> -> memref<40x128xi32, #tpu.memory_space<hbm>>
        %dma_start3A_28 = arith.constant 0 : i32
        %dma_start3A_29 = tpu.memref_slice %arg3[%add3A, %mul3A_20, %dma_start3A_28] : memref<32x80x128xi32, #tpu.memory_space<hbm>> -> memref<1x40x128xi32, #tpu.memory_space<hbm>>
        %dma_start3A_30 = tpu.memref_squeeze %dma_start3A_29 : memref<1x40x128xi32, #tpu.memory_space<hbm>> -> memref<40x128xi32, #tpu.memory_space<hbm>>
        tpu.enqueue_dma source(%dma_start3A_30 : memref<40x128xi32, #tpu.memory_space<hbm>>) target(%arg7 : memref<40x128xi32, #tpu.memory_space<vmem>>) target_semaphore(%run_scoped3A : memref<!tpu.dma_semaphore, #tpu.memory_space<semaphore_mem>>)
        %dma_wait3A = arith.constant 0 : i32
        %dma_wait3A_31 = tpu.memref_slice %arg3[%add3A, %mul3A_20, %dma_wait3A] : memref<32x80x128xi32, #tpu.memory_space<hbm>> -> memref<1x40x128xi32, #tpu.memory_space<hbm>>
        %dma_wait3A_32 = tpu.memref_squeeze %dma_wait3A_31 : memref<1x40x128xi32, #tpu.memory_space<hbm>> -> memref<40x128xi32, #tpu.memory_space<hbm>>
        %dma_wait3A_33 = arith.constant 0 : i32
        %dma_wait3A_34 = tpu.memref_slice %arg3[%add3A, %mul3A_20, %dma_wait3A_33] : memref<32x80x128xi32, #tpu.memory_space<hbm>> -> memref<1x40x128xi32, #tpu.memory_space<hbm>>
        %dma_wait3A_35 = tpu.memref_squeeze %dma_wait3A_34 : memref<1x40x128xi32, #tpu.memory_space<hbm>> -> memref<40x128xi32, #tpu.memory_space<hbm>>
        tpu.wait_dma2 semaphore(%run_scoped3A : memref<!tpu.dma_semaphore, #tpu.memory_space<semaphore_mem>>) src(%dma_wait3A_35 : memref<40x128xi32, #tpu.memory_space<hbm>>) dst(%arg7 : memref<40x128xi32, #tpu.memory_space<vmem>>)
        tpu.yield
      }) : () -> ()
      "tpu.region"() ({
        %run_scoped3A = tpu.sem_alloc : memref<!tpu.dma_semaphore, #tpu.memory_space<semaphore_mem>>
        %dma_start3A = arith.constant 0 : i32
        %dma_start3A_26 = tpu.memref_slice %arg4[%add3A, %mul3A_20, %dma_start3A] : memref<32x80x128xi32, #tpu.memory_space<hbm>> -> memref<1x40x128xi32, #tpu.memory_space<hbm>>
        %dma_start3A_27 = tpu.memref_squeeze %dma_start3A_26 : memref<1x40x128xi32, #tpu.memory_space<hbm>> -> memref<40x128xi32, #tpu.memory_space<hbm>>
        %dma_start3A_28 = arith.constant 0 : i32
        %dma_start3A_29 = tpu.memref_slice %arg4[%add3A, %mul3A_20, %dma_start3A_28] : memref<32x80x128xi32, #tpu.memory_space<hbm>> -> memref<1x40x128xi32, #tpu.memory_space<hbm>>
        %dma_start3A_30 = tpu.memref_squeeze %dma_start3A_29 : memref<1x40x128xi32, #tpu.memory_space<hbm>> -> memref<40x128xi32, #tpu.memory_space<hbm>>
        tpu.enqueue_dma source(%dma_start3A_30 : memref<40x128xi32, #tpu.memory_space<hbm>>) target(%arg8 : memref<40x128xi32, #tpu.memory_space<vmem>>) target_semaphore(%run_scoped3A : memref<!tpu.dma_semaphore, #tpu.memory_space<semaphore_mem>>)
        %dma_wait3A = arith.constant 0 : i32
        %dma_wait3A_31 = tpu.memref_slice %arg4[%add3A, %mul3A_20, %dma_wait3A] : memref<32x80x128xi32, #tpu.memory_space<hbm>> -> memref<1x40x128xi32, #tpu.memory_space<hbm>>
        %dma_wait3A_32 = tpu.memref_squeeze %dma_wait3A_31 : memref<1x40x128xi32, #tpu.memory_space<hbm>> -> memref<40x128xi32, #tpu.memory_space<hbm>>
        %dma_wait3A_33 = arith.constant 0 : i32
        %dma_wait3A_34 = tpu.memref_slice %arg4[%add3A, %mul3A_20, %dma_wait3A_33] : memref<32x80x128xi32, #tpu.memory_space<hbm>> -> memref<1x40x128xi32, #tpu.memory_space<hbm>>
        %dma_wait3A_35 = tpu.memref_squeeze %dma_wait3A_34 : memref<1x40x128xi32, #tpu.memory_space<hbm>> -> memref<40x128xi32, #tpu.memory_space<hbm>>
        tpu.wait_dma2 semaphore(%run_scoped3A : memref<!tpu.dma_semaphore, #tpu.memory_space<semaphore_mem>>) src(%dma_wait3A_35 : memref<40x128xi32, #tpu.memory_space<hbm>>) dst(%arg8 : memref<40x128xi32, #tpu.memory_space<vmem>>)
        tpu.yield
      }) : () -> ()
      %scan3A_21 = arith.constant 0 : i32
      %scan3A_22 = arith.constant 20 : i32
      %scan3A_23 = arith.addi %scan3A_21, %scan3A_22 : i32
      %scan3A_24 = arith.constant 1 : i32
      scf.for %scan3A_26 = %scan3A_21 to %scan3A_23 step %scan3A_24  : i32 {
        %mul3A_27 = arith.constant 1 : i32
        %mul3A_28 = arith.muli %scan3A_26, %mul3A_27 : i32
        %add3A_29 = arith.constant 0 : i32
        %add3A_30 = arith.addi %add3A_29, %mul3A_28 : i32
        %mul3A_31 = arith.constant 2 : i32
        %mul3A_32 = arith.muli %mul3A_31, %add3A_30 : i32
        %dma_start3A = arith.constant 0 : i32
        %dma_start3A_33 = tpu.memref_slice %arg7[%mul3A_32, %dma_start3A] : memref<40x128xi32, #tpu.memory_space<vmem>> -> memref<1x128xi32, #tpu.memory_space<vmem>>
        %dma_start3A_34 = tpu.memref_squeeze %dma_start3A_33 : memref<1x128xi32, #tpu.memory_space<vmem>> -> memref<128xi32, #tpu.memory_space<vmem>>
        %dma_start3A_35 = arith.constant 0 : i32
        %dma_start3A_36 = arith.constant 0 : i32
        %dma_start3A_37 = tpu.memref_slice %arg2[%dma_start3A_35, %dma_start3A_36] : memref<10000x128xf32, #tpu.memory_space<hbm>> -> memref<10000x128xf32, #tpu.memory_space<hbm>>
        tpu.enqueue_indirect_dma source(%dma_start3A_37 : memref<10000x128xf32, #tpu.memory_space<hbm>>) target(%arg9 : memref<128x128xf32, #tpu.memory_space<vmem>>) offsets(%dma_start3A_34 : memref<128xi32, #tpu.memory_space<vmem>>) semaphore(%arg12 : memref<!tpu.dma_semaphore, #tpu.memory_space<semaphore_mem>>)
        %add3A_38 = arith.constant 1 : i32
        %add3A_39 = arith.addi %mul3A_32, %add3A_38 : i32
        %dma_start3A_40 = arith.constant 0 : i32
        %dma_start3A_41 = tpu.memref_slice %arg7[%add3A_39, %dma_start3A_40] : memref<40x128xi32, #tpu.memory_space<vmem>> -> memref<1x128xi32, #tpu.memory_space<vmem>>
        %dma_start3A_42 = tpu.memref_squeeze %dma_start3A_41 : memref<1x128xi32, #tpu.memory_space<vmem>> -> memref<128xi32, #tpu.memory_space<vmem>>
        %dma_start3A_43 = arith.constant 0 : i32
        %dma_start3A_44 = arith.constant 0 : i32
        %dma_start3A_45 = tpu.memref_slice %arg2[%dma_start3A_43, %dma_start3A_44] : memref<10000x128xf32, #tpu.memory_space<hbm>> -> memref<10000x128xf32, #tpu.memory_space<hbm>>
        tpu.enqueue_indirect_dma source(%dma_start3A_45 : memref<10000x128xf32, #tpu.memory_space<hbm>>) target(%arg10 : memref<128x128xf32, #tpu.memory_space<vmem>>) offsets(%dma_start3A_42 : memref<128xi32, #tpu.memory_space<vmem>>) semaphore(%arg13 : memref<!tpu.dma_semaphore, #tpu.memory_space<semaphore_mem>>)
        %dma_wait3A = arith.constant 0 : i32
        %dma_wait3A_46 = tpu.memref_slice %arg7[%mul3A_32, %dma_wait3A] : memref<40x128xi32, #tpu.memory_space<vmem>> -> memref<1x128xi32, #tpu.memory_space<vmem>>
        %dma_wait3A_47 = tpu.memref_squeeze %dma_wait3A_46 : memref<1x128xi32, #tpu.memory_space<vmem>> -> memref<128xi32, #tpu.memory_space<vmem>>
        %dma_wait3A_48 = arith.constant 0 : i32
        %dma_wait3A_49 = arith.constant 0 : i32
        %dma_wait3A_50 = tpu.memref_slice %arg2[%dma_wait3A_48, %dma_wait3A_49] : memref<10000x128xf32, #tpu.memory_space<hbm>> -> memref<10000x128xf32, #tpu.memory_space<hbm>>
        tpu.wait_indirect_dma semaphore(%arg12 : memref<!tpu.dma_semaphore, #tpu.memory_space<semaphore_mem>>) src(%dma_wait3A_50 : memref<10000x128xf32, #tpu.memory_space<hbm>>) dst(%arg9 : memref<128x128xf32, #tpu.memory_space<vmem>>)
        %dma_start3A_51 = arith.constant 0 : i32
        %dma_start3A_52 = tpu.memref_slice %arg8[%mul3A_32, %dma_start3A_51] : memref<40x128xi32, #tpu.memory_space<vmem>> -> memref<1x128xi32, #tpu.memory_space<vmem>>
        %dma_start3A_53 = tpu.memref_squeeze %dma_start3A_52 : memref<1x128xi32, #tpu.memory_space<vmem>> -> memref<128xi32, #tpu.memory_space<vmem>>
        %dma_start3A_54 = arith.constant 0 : i32
        %dma_start3A_55 = arith.constant 0 : i32
        %dma_start3A_56 = tpu.memref_slice %arg11[%dma_start3A_54, %dma_start3A_55] : memref<10112x128xf32, #tpu.memory_space<vmem_shared>> -> memref<10112x128xf32, #tpu.memory_space<vmem_shared>>
        tpu.enqueue_indirect_dma source(%arg9 : memref<128x128xf32, #tpu.memory_space<vmem>>) target(%dma_start3A_56 : memref<10112x128xf32, #tpu.memory_space<vmem_shared>>) offsets(%dma_start3A_53 : memref<128xi32, #tpu.memory_space<vmem>>) semaphore(%arg14 : memref<!tpu.dma_semaphore, #tpu.memory_space<semaphore_mem>>) {add = true}
        %dma_wait3A_57 = arith.constant 0 : i32
        %dma_wait3A_58 = tpu.memref_slice %arg7[%add3A_39, %dma_wait3A_57] : memref<40x128xi32, #tpu.memory_space<vmem>> -> memref<1x128xi32, #tpu.memory_space<vmem>>
        %dma_wait3A_59 = tpu.memref_squeeze %dma_wait3A_58 : memref<1x128xi32, #tpu.memory_space<vmem>> -> memref<128xi32, #tpu.memory_space<vmem>>
        %dma_wait3A_60 = arith.constant 0 : i32
        %dma_wait3A_61 = arith.constant 0 : i32
        %dma_wait3A_62 = tpu.memref_slice %arg2[%dma_wait3A_60, %dma_wait3A_61] : memref<10000x128xf32, #tpu.memory_space<hbm>> -> memref<10000x128xf32, #tpu.memory_space<hbm>>
        tpu.wait_indirect_dma semaphore(%arg13 : memref<!tpu.dma_semaphore, #tpu.memory_space<semaphore_mem>>) src(%dma_wait3A_62 : memref<10000x128xf32, #tpu.memory_space<hbm>>) dst(%arg10 : memref<128x128xf32, #tpu.memory_space<vmem>>)
        %add3A_63 = arith.constant 1 : i32
        %add3A_64 = arith.addi %mul3A_32, %add3A_63 : i32
        %dma_start3A_65 = arith.constant 0 : i32
        %dma_start3A_66 = tpu.memref_slice %arg8[%add3A_64, %dma_start3A_65] : memref<40x128xi32, #tpu.memory_space<vmem>> -> memref<1x128xi32, #tpu.memory_space<vmem>>
        %dma_start3A_67 = tpu.memref_squeeze %dma_start3A_66 : memref<1x128xi32, #tpu.memory_space<vmem>> -> memref<128xi32, #tpu.memory_space<vmem>>
        %dma_start3A_68 = arith.constant 0 : i32
        %dma_start3A_69 = arith.constant 0 : i32
        %dma_start3A_70 = tpu.memref_slice %arg11[%dma_start3A_68, %dma_start3A_69] : memref<10112x128xf32, #tpu.memory_space<vmem_shared>> -> memref<10112x128xf32, #tpu.memory_space<vmem_shared>>
        tpu.enqueue_indirect_dma source(%arg10 : memref<128x128xf32, #tpu.memory_space<vmem>>) target(%dma_start3A_70 : memref<10112x128xf32, #tpu.memory_space<vmem_shared>>) offsets(%dma_start3A_67 : memref<128xi32, #tpu.memory_space<vmem>>) semaphore(%arg15 : memref<!tpu.dma_semaphore, #tpu.memory_space<semaphore_mem>>) {add = true}
        %dma_wait3A_71 = arith.constant 0 : i32
        %dma_wait3A_72 = tpu.memref_slice %arg8[%mul3A_32, %dma_wait3A_71] : memref<40x128xi32, #tpu.memory_space<vmem>> -> memref<1x128xi32, #tpu.memory_space<vmem>>
        %dma_wait3A_73 = tpu.memref_squeeze %dma_wait3A_72 : memref<1x128xi32, #tpu.memory_space<vmem>> -> memref<128xi32, #tpu.memory_space<vmem>>
        %dma_wait3A_74 = arith.constant 0 : i32
        %dma_wait3A_75 = arith.constant 0 : i32
        %dma_wait3A_76 = tpu.memref_slice %arg11[%dma_wait3A_74, %dma_wait3A_75] : memref<10112x128xf32, #tpu.memory_space<vmem_shared>> -> memref<10112x128xf32, #tpu.memory_space<vmem_shared>>
        tpu.wait_indirect_dma semaphore(%arg14 : memref<!tpu.dma_semaphore, #tpu.memory_space<semaphore_mem>>) src(%arg9 : memref<128x128xf32, #tpu.memory_space<vmem>>) dst(%dma_wait3A_76 : memref<10112x128xf32, #tpu.memory_space<vmem_shared>>)
        %dma_wait3A_77 = arith.constant 0 : i32
        %dma_wait3A_78 = tpu.memref_slice %arg8[%add3A_64, %dma_wait3A_77] : memref<40x128xi32, #tpu.memory_space<vmem>> -> memref<1x128xi32, #tpu.memory_space<vmem>>
        %dma_wait3A_79 = tpu.memref_squeeze %dma_wait3A_78 : memref<1x128xi32, #tpu.memory_space<vmem>> -> memref<128xi32, #tpu.memory_space<vmem>>
        %dma_wait3A_80 = arith.constant 0 : i32
        %dma_wait3A_81 = arith.constant 0 : i32
        %dma_wait3A_82 = tpu.memref_slice %arg11[%dma_wait3A_80, %dma_wait3A_81] : memref<10112x128xf32, #tpu.memory_space<vmem_shared>> -> memref<10112x128xf32, #tpu.memory_space<vmem_shared>>
        tpu.wait_indirect_dma semaphore(%arg15 : memref<!tpu.dma_semaphore, #tpu.memory_space<semaphore_mem>>) src(%arg10 : memref<128x128xf32, #tpu.memory_space<vmem>>) dst(%dma_wait3A_82 : memref<10112x128xf32, #tpu.memory_space<vmem_shared>>)
      }
      %scan3A_25 = arith.constant 20 : i32
    }
    %scan3A_8 = arith.constant 2 : i32
    %barrier3A_9 = arith.constant 0 : index
    tpu.barrier barrier_id(%barrier3A_9)
    %mul3A_10 = arith.constant 632 : i32
    %mul3A_11 = arith.muli %arg1, %mul3A_10 : i32
    %mul3A_12 = arith.constant 632 : i32
    %mul3A_13 = arith.muli %arg1, %mul3A_12 : i32
    "tpu.region"() ({
      %run_scoped3A = tpu.sem_alloc : memref<!tpu.dma_semaphore, #tpu.memory_space<semaphore_mem>>
      %dma_start3A = arith.constant 0 : i32
      %dma_start3A_14 = tpu.memref_slice %arg6[%arg0, %mul3A_13, %dma_start3A] : memref<2x10112x128xf32, #tpu.memory_space<hbm>> -> memref<1x632x128xf32, #tpu.memory_space<hbm>>
      %dma_start3A_15 = tpu.memref_squeeze %dma_start3A_14 : memref<1x632x128xf32, #tpu.memory_space<hbm>> -> memref<632x128xf32, #tpu.memory_space<hbm>>
      %dma_start3A_16 = arith.constant 0 : i32
      %dma_start3A_17 = tpu.memref_slice %arg11[%mul3A_11, %dma_start3A_16] : memref<10112x128xf32, #tpu.memory_space<vmem_shared>> -> memref<632x128xf32, #tpu.memory_space<vmem_shared>>
      tpu.enqueue_dma source(%dma_start3A_17 : memref<632x128xf32, #tpu.memory_space<vmem_shared>>) target(%dma_start3A_15 : memref<632x128xf32, #tpu.memory_space<hbm>>) target_semaphore(%run_scoped3A : memref<!tpu.dma_semaphore, #tpu.memory_space<semaphore_mem>>)
      %dma_wait3A = arith.constant 0 : i32
      %dma_wait3A_18 = tpu.memref_slice %arg6[%arg0, %mul3A_13, %dma_wait3A] : memref<2x10112x128xf32, #tpu.memory_space<hbm>> -> memref<1x632x128xf32, #tpu.memory_space<hbm>>
      %dma_wait3A_19 = tpu.memref_squeeze %dma_wait3A_18 : memref<1x632x128xf32, #tpu.memory_space<hbm>> -> memref<632x128xf32, #tpu.memory_space<hbm>>
      %dma_wait3A_20 = arith.constant 0 : i32
      %dma_wait3A_21 = tpu.memref_slice %arg11[%mul3A_11, %dma_wait3A_20] : memref<10112x128xf32, #tpu.memory_space<vmem_shared>> -> memref<632x128xf32, #tpu.memory_space<vmem_shared>>
      tpu.wait_dma2 semaphore(%run_scoped3A : memref<!tpu.dma_semaphore, #tpu.memory_space<semaphore_mem>>) src(%dma_wait3A_21 : memref<632x128xf32, #tpu.memory_space<vmem_shared>>) dst(%dma_wait3A_19 : memref<632x128xf32, #tpu.memory_space<hbm>>)
      tpu.yield
    }) : () -> ()
    return
  }
}

#map = affine_map<(d0, d1) -> (0, 0)>
#map1 = affine_map<(d0, d1) -> (0, 0, 0)>
module attributes {stable_mosaic.version = 14 : i64} {
  func.func @sc_agg(%arg0: i32, %arg1: i32, %arg2: memref<10000x128xf32, #tpu.memory_space<hbm>>, %arg3: memref<32x80x128xi32, #tpu.memory_space<hbm>>, %arg4: memref<32x80x128xi32, #tpu.memory_space<hbm>>, %arg5: memref<10112x128xf32, #tpu.memory_space<hbm>>, %arg6: memref<2x10112x128xf32, #tpu.memory_space<hbm>>, %arg7: memref<40x128xi32, #tpu.memory_space<vmem>>, %arg8: memref<40x128xi32, #tpu.memory_space<vmem>>, %arg9: memref<128x128xf32, #tpu.memory_space<vmem>>, %arg10: memref<128x128xf32, #tpu.memory_space<vmem>>, %arg11: memref<10112x128xf32, #tpu.memory_space<vmem_shared>>, %arg12: memref<!tpu.dma_semaphore, #tpu.memory_space<semaphore_mem>>, %arg13: memref<!tpu.dma_semaphore, #tpu.memory_space<semaphore_mem>>, %arg14: memref<!tpu.dma_semaphore, #tpu.memory_space<semaphore_mem>>, %arg15: memref<!tpu.dma_semaphore, #tpu.memory_space<semaphore_mem>>) attributes {dimension_semantics = [#tpu.dimension_semantics<core_parallel>, #tpu.dimension_semantics<subcore_parallel>], iteration_bounds = array<i64: 2, 16>, scalar_prefetch = 0 : i64, scratch_operands = 9 : i64, tpu.core_type = #tpu.core_type<sc_vector_subcore>, window_params = [{transform_indices = #map}, {transform_indices = #map1}, {transform_indices = #map1}, {transform_indices = #map}, {transform_indices = #map1}]} {
    %mul3A = arith.constant 16 : i32
    %mul3A_0 = arith.muli %arg0, %mul3A : i32
    %add3A = arith.addi %mul3A_0, %arg1 : i32
    %mul3A_1 = arith.constant 632 : i32
    %mul3A_2 = arith.muli %arg1, %mul3A_1 : i32
    %mul3A_3 = arith.constant 632 : i32
    %mul3A_4 = arith.muli %arg1, %mul3A_3 : i32
    "tpu.region"() ({
      %run_scoped3A = tpu.sem_alloc : memref<!tpu.dma_semaphore, #tpu.memory_space<semaphore_mem>>
      %dma_start3A = arith.constant 0 : i32
      %dma_start3A_14 = tpu.memref_slice %arg11[%mul3A_4, %dma_start3A] : memref<10112x128xf32, #tpu.memory_space<vmem_shared>> -> memref<632x128xf32, #tpu.memory_space<vmem_shared>>
      %dma_start3A_15 = arith.constant 0 : i32
      %dma_start3A_16 = tpu.memref_slice %arg5[%mul3A_2, %dma_start3A_15] : memref<10112x128xf32, #tpu.memory_space<hbm>> -> memref<632x128xf32, #tpu.memory_space<hbm>>
      tpu.enqueue_dma source(%dma_start3A_16 : memref<632x128xf32, #tpu.memory_space<hbm>>) target(%dma_start3A_14 : memref<632x128xf32, #tpu.memory_space<vmem_shared>>) target_semaphore(%run_scoped3A : memref<!tpu.dma_semaphore, #tpu.memory_space<semaphore_mem>>)
      %dma_wait3A = arith.constant 0 : i32
      %dma_wait3A_17 = tpu.memref_slice %arg11[%mul3A_4, %dma_wait3A] : memref<10112x128xf32, #tpu.memory_space<vmem_shared>> -> memref<632x128xf32, #tpu.memory_space<vmem_shared>>
      %dma_wait3A_18 = arith.constant 0 : i32
      %dma_wait3A_19 = tpu.memref_slice %arg5[%mul3A_2, %dma_wait3A_18] : memref<10112x128xf32, #tpu.memory_space<hbm>> -> memref<632x128xf32, #tpu.memory_space<hbm>>
      tpu.wait_dma2 semaphore(%run_scoped3A : memref<!tpu.dma_semaphore, #tpu.memory_space<semaphore_mem>>) src(%dma_wait3A_19 : memref<632x128xf32, #tpu.memory_space<hbm>>) dst(%dma_wait3A_17 : memref<632x128xf32, #tpu.memory_space<vmem_shared>>)
      tpu.yield
    }) : () -> ()
    %barrier3A = arith.constant 0 : index
    tpu.barrier barrier_id(%barrier3A)
    %scan3A = arith.constant 0 : i32
    %scan3A_5 = arith.constant 2 : i32
    %scan3A_6 = arith.addi %scan3A, %scan3A_5 : i32
    %scan3A_7 = arith.constant 1 : i32
    scf.for %scan3A_14 = %scan3A to %scan3A_6 step %scan3A_7  : i32 {
      %mul3A_15 = arith.constant 1 : i32
      %mul3A_16 = arith.muli %scan3A_14, %mul3A_15 : i32
      %add3A_17 = arith.constant 0 : i32
      %add3A_18 = arith.addi %add3A_17, %mul3A_16 : i32
      %mul3A_19 = arith.constant 40 : i32
      %mul3A_20 = arith.muli %add3A_18, %mul3A_19 : i32
      "tpu.region"() ({
        %run_scoped3A = tpu.sem_alloc : memref<!tpu.dma_semaphore, #tpu.memory_space<semaphore_mem>>
        %dma_start3A = arith.constant 0 : i32
        %dma_start3A_26 = tpu.memref_slice %arg3[%add3A, %mul3A_20, %dma_start3A] : memref<32x80x128xi32, #tpu.memory_space<hbm>> -> memref<1x40x128xi32, #tpu.memory_space<hbm>>
        %dma_start3A_27 = tpu.memref_squeeze %dma_start3A_26 : memref<1x40x128xi32, #tpu.memory_space<hbm>> -> memref<40x128xi32, #tpu.memory_space<hbm>>
        %dma_start3A_28 = arith.constant 0 : i32
        %dma_start3A_29 = tpu.memref_slice %arg3[%add3A, %mul3A_20, %dma_start3A_28] : memref<32x80x128xi32, #tpu.memory_space<hbm>> -> memref<1x40x128xi32, #tpu.memory_space<hbm>>
        %dma_start3A_30 = tpu.memref_squeeze %dma_start3A_29 : memref<1x40x128xi32, #tpu.memory_space<hbm>> -> memref<40x128xi32, #tpu.memory_space<hbm>>
        tpu.enqueue_dma source(%dma_start3A_30 : memref<40x128xi32, #tpu.memory_space<hbm>>) target(%arg7 : memref<40x128xi32, #tpu.memory_space<vmem>>) target_semaphore(%run_scoped3A : memref<!tpu.dma_semaphore, #tpu.memory_space<semaphore_mem>>)
        %dma_wait3A = arith.constant 0 : i32
        %dma_wait3A_31 = tpu.memref_slice %arg3[%add3A, %mul3A_20, %dma_wait3A] : memref<32x80x128xi32, #tpu.memory_space<hbm>> -> memref<1x40x128xi32, #tpu.memory_space<hbm>>
        %dma_wait3A_32 = tpu.memref_squeeze %dma_wait3A_31 : memref<1x40x128xi32, #tpu.memory_space<hbm>> -> memref<40x128xi32, #tpu.memory_space<hbm>>
        %dma_wait3A_33 = arith.constant 0 : i32
        %dma_wait3A_34 = tpu.memref_slice %arg3[%add3A, %mul3A_20, %dma_wait3A_33] : memref<32x80x128xi32, #tpu.memory_space<hbm>> -> memref<1x40x128xi32, #tpu.memory_space<hbm>>
        %dma_wait3A_35 = tpu.memref_squeeze %dma_wait3A_34 : memref<1x40x128xi32, #tpu.memory_space<hbm>> -> memref<40x128xi32, #tpu.memory_space<hbm>>
        tpu.wait_dma2 semaphore(%run_scoped3A : memref<!tpu.dma_semaphore, #tpu.memory_space<semaphore_mem>>) src(%dma_wait3A_35 : memref<40x128xi32, #tpu.memory_space<hbm>>) dst(%arg7 : memref<40x128xi32, #tpu.memory_space<vmem>>)
        tpu.yield
      }) : () -> ()
      "tpu.region"() ({
        %run_scoped3A = tpu.sem_alloc : memref<!tpu.dma_semaphore, #tpu.memory_space<semaphore_mem>>
        %dma_start3A = arith.constant 0 : i32
        %dma_start3A_26 = tpu.memref_slice %arg4[%add3A, %mul3A_20, %dma_start3A] : memref<32x80x128xi32, #tpu.memory_space<hbm>> -> memref<1x40x128xi32, #tpu.memory_space<hbm>>
        %dma_start3A_27 = tpu.memref_squeeze %dma_start3A_26 : memref<1x40x128xi32, #tpu.memory_space<hbm>> -> memref<40x128xi32, #tpu.memory_space<hbm>>
        %dma_start3A_28 = arith.constant 0 : i32
        %dma_start3A_29 = tpu.memref_slice %arg4[%add3A, %mul3A_20, %dma_start3A_28] : memref<32x80x128xi32, #tpu.memory_space<hbm>> -> memref<1x40x128xi32, #tpu.memory_space<hbm>>
        %dma_start3A_30 = tpu.memref_squeeze %dma_start3A_29 : memref<1x40x128xi32, #tpu.memory_space<hbm>> -> memref<40x128xi32, #tpu.memory_space<hbm>>
        tpu.enqueue_dma source(%dma_start3A_30 : memref<40x128xi32, #tpu.memory_space<hbm>>) target(%arg8 : memref<40x128xi32, #tpu.memory_space<vmem>>) target_semaphore(%run_scoped3A : memref<!tpu.dma_semaphore, #tpu.memory_space<semaphore_mem>>)
        %dma_wait3A = arith.constant 0 : i32
        %dma_wait3A_31 = tpu.memref_slice %arg4[%add3A, %mul3A_20, %dma_wait3A] : memref<32x80x128xi32, #tpu.memory_space<hbm>> -> memref<1x40x128xi32, #tpu.memory_space<hbm>>
        %dma_wait3A_32 = tpu.memref_squeeze %dma_wait3A_31 : memref<1x40x128xi32, #tpu.memory_space<hbm>> -> memref<40x128xi32, #tpu.memory_space<hbm>>
        %dma_wait3A_33 = arith.constant 0 : i32
        %dma_wait3A_34 = tpu.memref_slice %arg4[%add3A, %mul3A_20, %dma_wait3A_33] : memref<32x80x128xi32, #tpu.memory_space<hbm>> -> memref<1x40x128xi32, #tpu.memory_space<hbm>>
        %dma_wait3A_35 = tpu.memref_squeeze %dma_wait3A_34 : memref<1x40x128xi32, #tpu.memory_space<hbm>> -> memref<40x128xi32, #tpu.memory_space<hbm>>
        tpu.wait_dma2 semaphore(%run_scoped3A : memref<!tpu.dma_semaphore, #tpu.memory_space<semaphore_mem>>) src(%dma_wait3A_35 : memref<40x128xi32, #tpu.memory_space<hbm>>) dst(%arg8 : memref<40x128xi32, #tpu.memory_space<vmem>>)
        tpu.yield
      }) : () -> ()
      %scan3A_21 = arith.constant 0 : i32
      %scan3A_22 = arith.constant 20 : i32
      %scan3A_23 = arith.addi %scan3A_21, %scan3A_22 : i32
      %scan3A_24 = arith.constant 1 : i32
      scf.for %scan3A_26 = %scan3A_21 to %scan3A_23 step %scan3A_24  : i32 {
        %mul3A_27 = arith.constant 1 : i32
        %mul3A_28 = arith.muli %scan3A_26, %mul3A_27 : i32
        %add3A_29 = arith.constant 0 : i32
        %add3A_30 = arith.addi %add3A_29, %mul3A_28 : i32
        %mul3A_31 = arith.constant 2 : i32
        %mul3A_32 = arith.muli %mul3A_31, %add3A_30 : i32
        %dma_start3A = arith.constant 0 : i32
        %dma_start3A_33 = tpu.memref_slice %arg7[%mul3A_32, %dma_start3A] : memref<40x128xi32, #tpu.memory_space<vmem>> -> memref<1x128xi32, #tpu.memory_space<vmem>>
        %dma_start3A_34 = tpu.memref_squeeze %dma_start3A_33 : memref<1x128xi32, #tpu.memory_space<vmem>> -> memref<128xi32, #tpu.memory_space<vmem>>
        %dma_start3A_35 = arith.constant 0 : i32
        %dma_start3A_36 = arith.constant 0 : i32
        %dma_start3A_37 = tpu.memref_slice %arg2[%dma_start3A_35, %dma_start3A_36] : memref<10000x128xf32, #tpu.memory_space<hbm>> -> memref<10000x128xf32, #tpu.memory_space<hbm>>
        tpu.enqueue_indirect_dma source(%dma_start3A_37 : memref<10000x128xf32, #tpu.memory_space<hbm>>) target(%arg9 : memref<128x128xf32, #tpu.memory_space<vmem>>) offsets(%dma_start3A_34 : memref<128xi32, #tpu.memory_space<vmem>>) semaphore(%arg12 : memref<!tpu.dma_semaphore, #tpu.memory_space<semaphore_mem>>)
        %add3A_38 = arith.constant 1 : i32
        %add3A_39 = arith.addi %mul3A_32, %add3A_38 : i32
        %dma_start3A_40 = arith.constant 0 : i32
        %dma_start3A_41 = tpu.memref_slice %arg7[%add3A_39, %dma_start3A_40] : memref<40x128xi32, #tpu.memory_space<vmem>> -> memref<1x128xi32, #tpu.memory_space<vmem>>
        %dma_start3A_42 = tpu.memref_squeeze %dma_start3A_41 : memref<1x128xi32, #tpu.memory_space<vmem>> -> memref<128xi32, #tpu.memory_space<vmem>>
        %dma_start3A_43 = arith.constant 0 : i32
        %dma_start3A_44 = arith.constant 0 : i32
        %dma_start3A_45 = tpu.memref_slice %arg2[%dma_start3A_43, %dma_start3A_44] : memref<10000x128xf32, #tpu.memory_space<hbm>> -> memref<10000x128xf32, #tpu.memory_space<hbm>>
        tpu.enqueue_indirect_dma source(%dma_start3A_45 : memref<10000x128xf32, #tpu.memory_space<hbm>>) target(%arg10 : memref<128x128xf32, #tpu.memory_space<vmem>>) offsets(%dma_start3A_42 : memref<128xi32, #tpu.memory_space<vmem>>) semaphore(%arg13 : memref<!tpu.dma_semaphore, #tpu.memory_space<semaphore_mem>>)
        %dma_wait3A = arith.constant 0 : i32
        %dma_wait3A_46 = tpu.memref_slice %arg7[%mul3A_32, %dma_wait3A] : memref<40x128xi32, #tpu.memory_space<vmem>> -> memref<1x128xi32, #tpu.memory_space<vmem>>
        %dma_wait3A_47 = tpu.memref_squeeze %dma_wait3A_46 : memref<1x128xi32, #tpu.memory_space<vmem>> -> memref<128xi32, #tpu.memory_space<vmem>>
        %dma_wait3A_48 = arith.constant 0 : i32
        %dma_wait3A_49 = arith.constant 0 : i32
        %dma_wait3A_50 = tpu.memref_slice %arg2[%dma_wait3A_48, %dma_wait3A_49] : memref<10000x128xf32, #tpu.memory_space<hbm>> -> memref<10000x128xf32, #tpu.memory_space<hbm>>
        tpu.wait_indirect_dma semaphore(%arg12 : memref<!tpu.dma_semaphore, #tpu.memory_space<semaphore_mem>>) src(%dma_wait3A_50 : memref<10000x128xf32, #tpu.memory_space<hbm>>) dst(%arg9 : memref<128x128xf32, #tpu.memory_space<vmem>>)
        %dma_start3A_51 = arith.constant 0 : i32
        %dma_start3A_52 = tpu.memref_slice %arg8[%mul3A_32, %dma_start3A_51] : memref<40x128xi32, #tpu.memory_space<vmem>> -> memref<1x128xi32, #tpu.memory_space<vmem>>
        %dma_start3A_53 = tpu.memref_squeeze %dma_start3A_52 : memref<1x128xi32, #tpu.memory_space<vmem>> -> memref<128xi32, #tpu.memory_space<vmem>>
        %dma_start3A_54 = arith.constant 0 : i32
        %dma_start3A_55 = arith.constant 0 : i32
        %dma_start3A_56 = tpu.memref_slice %arg11[%dma_start3A_54, %dma_start3A_55] : memref<10112x128xf32, #tpu.memory_space<vmem_shared>> -> memref<10112x128xf32, #tpu.memory_space<vmem_shared>>
        tpu.enqueue_indirect_dma source(%arg9 : memref<128x128xf32, #tpu.memory_space<vmem>>) target(%dma_start3A_56 : memref<10112x128xf32, #tpu.memory_space<vmem_shared>>) offsets(%dma_start3A_53 : memref<128xi32, #tpu.memory_space<vmem>>) semaphore(%arg14 : memref<!tpu.dma_semaphore, #tpu.memory_space<semaphore_mem>>) {add = true}
        %dma_wait3A_57 = arith.constant 0 : i32
        %dma_wait3A_58 = tpu.memref_slice %arg7[%add3A_39, %dma_wait3A_57] : memref<40x128xi32, #tpu.memory_space<vmem>> -> memref<1x128xi32, #tpu.memory_space<vmem>>
        %dma_wait3A_59 = tpu.memref_squeeze %dma_wait3A_58 : memref<1x128xi32, #tpu.memory_space<vmem>> -> memref<128xi32, #tpu.memory_space<vmem>>
        %dma_wait3A_60 = arith.constant 0 : i32
        %dma_wait3A_61 = arith.constant 0 : i32
        %dma_wait3A_62 = tpu.memref_slice %arg2[%dma_wait3A_60, %dma_wait3A_61] : memref<10000x128xf32, #tpu.memory_space<hbm>> -> memref<10000x128xf32, #tpu.memory_space<hbm>>
        tpu.wait_indirect_dma semaphore(%arg13 : memref<!tpu.dma_semaphore, #tpu.memory_space<semaphore_mem>>) src(%dma_wait3A_62 : memref<10000x128xf32, #tpu.memory_space<hbm>>) dst(%arg10 : memref<128x128xf32, #tpu.memory_space<vmem>>)
        %add3A_63 = arith.constant 1 : i32
        %add3A_64 = arith.addi %mul3A_32, %add3A_63 : i32
        %dma_start3A_65 = arith.constant 0 : i32
        %dma_start3A_66 = tpu.memref_slice %arg8[%add3A_64, %dma_start3A_65] : memref<40x128xi32, #tpu.memory_space<vmem>> -> memref<1x128xi32, #tpu.memory_space<vmem>>
        %dma_start3A_67 = tpu.memref_squeeze %dma_start3A_66 : memref<1x128xi32, #tpu.memory_space<vmem>> -> memref<128xi32, #tpu.memory_space<vmem>>
        %dma_start3A_68 = arith.constant 0 : i32
        %dma_start3A_69 = arith.constant 0 : i32
        %dma_start3A_70 = tpu.memref_slice %arg11[%dma_start3A_68, %dma_start3A_69] : memref<10112x128xf32, #tpu.memory_space<vmem_shared>> -> memref<10112x128xf32, #tpu.memory_space<vmem_shared>>
        tpu.enqueue_indirect_dma source(%arg10 : memref<128x128xf32, #tpu.memory_space<vmem>>) target(%dma_start3A_70 : memref<10112x128xf32, #tpu.memory_space<vmem_shared>>) offsets(%dma_start3A_67 : memref<128xi32, #tpu.memory_space<vmem>>) semaphore(%arg15 : memref<!tpu.dma_semaphore, #tpu.memory_space<semaphore_mem>>) {add = true}
        %dma_wait3A_71 = arith.constant 0 : i32
        %dma_wait3A_72 = tpu.memref_slice %arg8[%mul3A_32, %dma_wait3A_71] : memref<40x128xi32, #tpu.memory_space<vmem>> -> memref<1x128xi32, #tpu.memory_space<vmem>>
        %dma_wait3A_73 = tpu.memref_squeeze %dma_wait3A_72 : memref<1x128xi32, #tpu.memory_space<vmem>> -> memref<128xi32, #tpu.memory_space<vmem>>
        %dma_wait3A_74 = arith.constant 0 : i32
        %dma_wait3A_75 = arith.constant 0 : i32
        %dma_wait3A_76 = tpu.memref_slice %arg11[%dma_wait3A_74, %dma_wait3A_75] : memref<10112x128xf32, #tpu.memory_space<vmem_shared>> -> memref<10112x128xf32, #tpu.memory_space<vmem_shared>>
        tpu.wait_indirect_dma semaphore(%arg14 : memref<!tpu.dma_semaphore, #tpu.memory_space<semaphore_mem>>) src(%arg9 : memref<128x128xf32, #tpu.memory_space<vmem>>) dst(%dma_wait3A_76 : memref<10112x128xf32, #tpu.memory_space<vmem_shared>>)
        %dma_wait3A_77 = arith.constant 0 : i32
        %dma_wait3A_78 = tpu.memref_slice %arg8[%add3A_64, %dma_wait3A_77] : memref<40x128xi32, #tpu.memory_space<vmem>> -> memref<1x128xi32, #tpu.memory_space<vmem>>
        %dma_wait3A_79 = tpu.memref_squeeze %dma_wait3A_78 : memref<1x128xi32, #tpu.memory_space<vmem>> -> memref<128xi32, #tpu.memory_space<vmem>>
        %dma_wait3A_80 = arith.constant 0 : i32
        %dma_wait3A_81 = arith.constant 0 : i32
        %dma_wait3A_82 = tpu.memref_slice %arg11[%dma_wait3A_80, %dma_wait3A_81] : memref<10112x128xf32, #tpu.memory_space<vmem_shared>> -> memref<10112x128xf32, #tpu.memory_space<vmem_shared>>
        tpu.wait_indirect_dma semaphore(%arg15 : memref<!tpu.dma_semaphore, #tpu.memory_space<semaphore_mem>>) src(%arg10 : memref<128x128xf32, #tpu.memory_space<vmem>>) dst(%dma_wait3A_82 : memref<10112x128xf32, #tpu.memory_space<vmem_shared>>)
      }
      %scan3A_25 = arith.constant 20 : i32
    }
    %scan3A_8 = arith.constant 2 : i32
    %barrier3A_9 = arith.constant 0 : index
    tpu.barrier barrier_id(%barrier3A_9)
    %mul3A_10 = arith.constant 632 : i32
    %mul3A_11 = arith.muli %arg1, %mul3A_10 : i32
    %mul3A_12 = arith.constant 632 : i32
    %mul3A_13 = arith.muli %arg1, %mul3A_12 : i32
    "tpu.region"() ({
      %run_scoped3A = tpu.sem_alloc : memref<!tpu.dma_semaphore, #tpu.memory_space<semaphore_mem>>
      %dma_start3A = arith.constant 0 : i32
      %dma_start3A_14 = tpu.memref_slice %arg6[%arg0, %mul3A_13, %dma_start3A] : memref<2x10112x128xf32, #tpu.memory_space<hbm>> -> memref<1x632x128xf32, #tpu.memory_space<hbm>>
      %dma_start3A_15 = tpu.memref_squeeze %dma_start3A_14 : memref<1x632x128xf32, #tpu.memory_space<hbm>> -> memref<632x128xf32, #tpu.memory_space<hbm>>
      %dma_start3A_16 = arith.constant 0 : i32
      %dma_start3A_17 = tpu.memref_slice %arg11[%mul3A_11, %dma_start3A_16] : memref<10112x128xf32, #tpu.memory_space<vmem_shared>> -> memref<632x128xf32, #tpu.memory_space<vmem_shared>>
      tpu.enqueue_dma source(%dma_start3A_17 : memref<632x128xf32, #tpu.memory_space<vmem_shared>>) target(%dma_start3A_15 : memref<632x128xf32, #tpu.memory_space<hbm>>) target_semaphore(%run_scoped3A : memref<!tpu.dma_semaphore, #tpu.memory_space<semaphore_mem>>)
      %dma_wait3A = arith.constant 0 : i32
      %dma_wait3A_18 = tpu.memref_slice %arg6[%arg0, %mul3A_13, %dma_wait3A] : memref<2x10112x128xf32, #tpu.memory_space<hbm>> -> memref<1x632x128xf32, #tpu.memory_space<hbm>>
      %dma_wait3A_19 = tpu.memref_squeeze %dma_wait3A_18 : memref<1x632x128xf32, #tpu.memory_space<hbm>> -> memref<632x128xf32, #tpu.memory_space<hbm>>
      %dma_wait3A_20 = arith.constant 0 : i32
      %dma_wait3A_21 = tpu.memref_slice %arg11[%mul3A_11, %dma_wait3A_20] : memref<10112x128xf32, #tpu.memory_space<vmem_shared>> -> memref<632x128xf32, #tpu.memory_space<vmem_shared>>
      tpu.wait_dma2 semaphore(%run_scoped3A : memref<!tpu.dma_semaphore, #tpu.memory_space<semaphore_mem>>) src(%dma_wait3A_21 : memref<632x128xf32, #tpu.memory_space<vmem_shared>>) dst(%dma_wait3A_19 : memref<632x128xf32, #tpu.memory_space<hbm>>)
      tpu.yield
    }) : () -> ()
    return
  }
}

module attributes {stable_mosaic.version = 14 : i64} {
  func.func @_tc_layer_body(%arg0: memref<10000x128xf32, #tpu.memory_space<vmem>>, %arg1: memref<10112x128xf32, #tpu.memory_space<vmem>>, %arg2: memref<10112x128xf32, #tpu.memory_space<vmem>>, %arg3: memref<128x128xf32, #tpu.memory_space<vmem>>, %arg4: memref<128xf32, #tpu.memory_space<vmem>>, %arg5: memref<128xf32, #tpu.memory_space<vmem>>, %arg6: memref<128xf32, #tpu.memory_space<vmem>>, %arg7: memref<128x128xf32, #tpu.memory_space<vmem>>, %arg8: memref<128xf32, #tpu.memory_space<vmem>>, %arg9: memref<10000x128xf32, #tpu.memory_space<vmem>>) attributes {dimension_semantics = [], scalar_prefetch = 0 : i64, scratch_operands = 0 : i64, tpu.core_type = #tpu.core_type<tc>} {
    %get3A = arith.constant 0 : index
    %get3A_0 = arith.constant 0 : index
    %get3A_1 = vector.load %arg0[%get3A, %get3A_0] : memref<10000x128xf32, #tpu.memory_space<vmem>>, vector<10000x128xf32>
    %get3A_2 = arith.constant 0 : index
    %get3A_3 = arith.constant 0 : index
    %get3A_4 = vector.load %arg1[%get3A_2, %get3A_3] : memref<10112x128xf32, #tpu.memory_space<vmem>>, vector<10000x128xf32>
    %add3A = arith.addf %get3A_1, %get3A_4 : vector<10000x128xf32>
    %get3A_5 = arith.constant 0 : index
    %get3A_6 = arith.constant 0 : index
    %get3A_7 = vector.load %arg2[%get3A_5, %get3A_6] : memref<10112x128xf32, #tpu.memory_space<vmem>>, vector<10000x128xf32>
    %add3A_8 = arith.addf %add3A, %get3A_7 : vector<10000x128xf32>
    %get3A_9 = arith.constant 0 : index
    %get3A_10 = arith.constant 0 : index
    %get3A_11 = vector.load %arg3[%get3A_9, %get3A_10] : memref<128x128xf32, #tpu.memory_space<vmem>>, vector<128x128xf32>
    %dot_general3A = arith.constant dense<0.000000e+00> : vector<10000x128xf32>
    %dot_general3A_12 = tpu.matmul %add3A_8, %get3A_11, %dot_general3A {dimension_numbers = #tpu.dot_dimension_numbers<[1], [0], [0], [1], [0, 0, 1, 1], [], []>, transpose_lhs_hint = false} : vector<10000x128xf32>, vector<128x128xf32>, vector<10000x128xf32> -> vector<10000x128xf32>
    %get3A_13 = arith.constant 0 : index
    %get3A_14 = vector.load %arg4[%get3A_13] : memref<128xf32, #tpu.memory_space<vmem>>, vector<128xf32>
    %broadcast_in_dim3A = vector.shape_cast %get3A_14 : vector<128xf32> to vector<1x128xf32>
    %add3A_15 = vector.broadcast %broadcast_in_dim3A : vector<1x128xf32> to vector<10000x128xf32>
    %add3A_16 = arith.addf %dot_general3A_12, %add3A_15 : vector<10000x128xf32>
    %ge3A = arith.constant 0.000000e+00 : f32
    %ge3A_17 = vector.broadcast %ge3A : f32 to vector<10000x128xf32>
    %ge3A_18 = arith.cmpf oge, %add3A_16, %ge3A_17 : vector<10000x128xf32>
    %mul3A = arith.constant 2.000000e-01 : f32
    %mul3A_19 = vector.broadcast %mul3A : f32 to vector<10000x128xf32>
    %mul3A_20 = arith.mulf %mul3A_19, %add3A_16 : vector<10000x128xf32>
    %select_n3A = arith.select %ge3A_18, %add3A_16, %mul3A_20 : vector<10000x128xi1>, vector<10000x128xf32>
    %reduce_sum3A = arith.constant dense<0.000000e+00> : vector<128xf32>
    %reduce_sum3A_21 = vector.multi_reduction <add>, %select_n3A, %reduce_sum3A [0] : vector<10000x128xf32> to vector<128xf32>
    %div3A = arith.constant 1.000000e+04 : f32
    %div3A_22 = vector.broadcast %div3A : f32 to vector<128xf32>
    %div3A_23 = arith.divf %reduce_sum3A_21, %div3A_22 : vector<128xf32>
    %broadcast_in_dim3A_24 = vector.shape_cast %div3A_23 : vector<128xf32> to vector<1x128xf32>
    %sub3A = vector.broadcast %broadcast_in_dim3A_24 : vector<1x128xf32> to vector<10000x128xf32>
    %sub3A_25 = arith.subf %select_n3A, %sub3A : vector<10000x128xf32>
    %integer_pow3A = arith.mulf %sub3A_25, %sub3A_25 : vector<10000x128xf32>
    %reduce_sum3A_26 = arith.constant dense<0.000000e+00> : vector<128xf32>
    %reduce_sum3A_27 = vector.multi_reduction <add>, %integer_pow3A, %reduce_sum3A_26 [0] : vector<10000x128xf32> to vector<128xf32>
    %div3A_28 = arith.constant 1.000000e+04 : f32
    %div3A_29 = vector.broadcast %div3A_28 : f32 to vector<128xf32>
    %div3A_30 = arith.divf %reduce_sum3A_27, %div3A_29 : vector<128xf32>
    %broadcast_in_dim3A_31 = vector.shape_cast %div3A_23 : vector<128xf32> to vector<1x128xf32>
    %sub3A_32 = vector.broadcast %broadcast_in_dim3A_31 : vector<1x128xf32> to vector<10000x128xf32>
    %sub3A_33 = arith.subf %select_n3A, %sub3A_32 : vector<10000x128xf32>
    %add3A_34 = arith.constant 9.99999974E-6 : f32
    %add3A_35 = vector.broadcast %add3A_34 : f32 to vector<128xf32>
    %add3A_36 = arith.addf %div3A_30, %add3A_35 : vector<128xf32>
    %rsqrt3A = math.rsqrt %add3A_36 : vector<128xf32>
    %broadcast_in_dim3A_37 = vector.shape_cast %rsqrt3A : vector<128xf32> to vector<1x128xf32>
    %mul3A_38 = vector.broadcast %broadcast_in_dim3A_37 : vector<1x128xf32> to vector<10000x128xf32>
    %mul3A_39 = arith.mulf %sub3A_33, %mul3A_38 : vector<10000x128xf32>
    %get3A_40 = arith.constant 0 : index
    %get3A_41 = vector.load %arg5[%get3A_40] : memref<128xf32, #tpu.memory_space<vmem>>, vector<128xf32>
    %broadcast_in_dim3A_42 = vector.shape_cast %get3A_41 : vector<128xf32> to vector<1x128xf32>
    %mul3A_43 = vector.broadcast %broadcast_in_dim3A_42 : vector<1x128xf32> to vector<10000x128xf32>
    %mul3A_44 = arith.mulf %mul3A_39, %mul3A_43 : vector<10000x128xf32>
    %get3A_45 = arith.constant 0 : index
    %get3A_46 = vector.load %arg6[%get3A_45] : memref<128xf32, #tpu.memory_space<vmem>>, vector<128xf32>
    %broadcast_in_dim3A_47 = vector.shape_cast %get3A_46 : vector<128xf32> to vector<1x128xf32>
    %add3A_48 = vector.broadcast %broadcast_in_dim3A_47 : vector<1x128xf32> to vector<10000x128xf32>
    %add3A_49 = arith.addf %mul3A_44, %add3A_48 : vector<10000x128xf32>
    %get3A_50 = arith.constant 0 : index
    %get3A_51 = arith.constant 0 : index
    %get3A_52 = vector.load %arg7[%get3A_50, %get3A_51] : memref<128x128xf32, #tpu.memory_space<vmem>>, vector<128x128xf32>
    %dot_general3A_53 = arith.constant dense<0.000000e+00> : vector<10000x128xf32>
    %dot_general3A_54 = tpu.matmul %add3A_49, %get3A_52, %dot_general3A_53 {dimension_numbers = #tpu.dot_dimension_numbers<[1], [0], [0], [1], [0, 0, 1, 1], [], []>, transpose_lhs_hint = false} : vector<10000x128xf32>, vector<128x128xf32>, vector<10000x128xf32> -> vector<10000x128xf32>
    %get3A_55 = arith.constant 0 : index
    %get3A_56 = vector.load %arg8[%get3A_55] : memref<128xf32, #tpu.memory_space<vmem>>, vector<128xf32>
    %broadcast_in_dim3A_57 = vector.shape_cast %get3A_56 : vector<128xf32> to vector<1x128xf32>
    %add3A_58 = vector.broadcast %broadcast_in_dim3A_57 : vector<1x128xf32> to vector<10000x128xf32>
    %add3A_59 = arith.addf %dot_general3A_54, %add3A_58 : vector<10000x128xf32>
    %ge3A_60 = arith.constant 0.000000e+00 : f32
    %ge3A_61 = vector.broadcast %ge3A_60 : f32 to vector<10000x128xf32>
    %ge3A_62 = arith.cmpf oge, %add3A_59, %ge3A_61 : vector<10000x128xf32>
    %mul3A_63 = arith.constant 2.000000e-01 : f32
    %mul3A_64 = vector.broadcast %mul3A_63 : f32 to vector<10000x128xf32>
    %mul3A_65 = arith.mulf %mul3A_64, %add3A_59 : vector<10000x128xf32>
    %select_n3A_66 = arith.select %ge3A_62, %add3A_59, %mul3A_65 : vector<10000x128xi1>, vector<10000x128xf32>
    %swap3A = arith.constant 0 : index
    %swap3A_67 = arith.constant 0 : index
    %swap3A_68 = vector.load %arg9[%swap3A, %swap3A_67] : memref<10000x128xf32, #tpu.memory_space<vmem>>, vector<10000x128xf32>
    tpu.vector_store %arg9[%swap3A, %swap3A_67], %select_n3A_66 {strides = array<i32>} : memref<10000x128xf32, #tpu.memory_space<vmem>>, vector<10000x128xf32>,
    return
  }
}

module attributes {stable_mosaic.version = 14 : i64} {
  func.func @_tc_last_body(%arg0: memref<10000x128xf32, #tpu.memory_space<vmem>>, %arg1: memref<10112x128xf32, #tpu.memory_space<vmem>>, %arg2: memref<10112x128xf32, #tpu.memory_space<vmem>>, %arg3: memref<128x128xf32, #tpu.memory_space<vmem>>, %arg4: memref<128xf32, #tpu.memory_space<vmem>>, %arg5: memref<128xf32, #tpu.memory_space<vmem>>, %arg6: memref<128xf32, #tpu.memory_space<vmem>>, %arg7: memref<128x128xf32, #tpu.memory_space<vmem>>, %arg8: memref<128xf32, #tpu.memory_space<vmem>>, %arg9: memref<1x10000xi32, #tpu.memory_space<vmem>>, %arg10: memref<128xf32, #tpu.memory_space<vmem>>, %arg11: memref<128xf32, #tpu.memory_space<vmem>>, %arg12: memref<128x64xf32, #tpu.memory_space<vmem>>, %arg13: memref<64xf32, #tpu.memory_space<vmem>>, %arg14: memref<16x64xf32, #tpu.memory_space<vmem>>) attributes {dimension_semantics = [], scalar_prefetch = 0 : i64, scratch_operands = 0 : i64, tpu.core_type = #tpu.core_type<tc>} {
    %get3A = arith.constant 0 : index
    %get3A_0 = arith.constant 0 : index
    %get3A_1 = vector.load %arg0[%get3A, %get3A_0] : memref<10000x128xf32, #tpu.memory_space<vmem>>, vector<10000x128xf32>
    %get3A_2 = arith.constant 0 : index
    %get3A_3 = arith.constant 0 : index
    %get3A_4 = vector.load %arg1[%get3A_2, %get3A_3] : memref<10112x128xf32, #tpu.memory_space<vmem>>, vector<10000x128xf32>
    %add3A = arith.addf %get3A_1, %get3A_4 : vector<10000x128xf32>
    %get3A_5 = arith.constant 0 : index
    %get3A_6 = arith.constant 0 : index
    %get3A_7 = vector.load %arg2[%get3A_5, %get3A_6] : memref<10112x128xf32, #tpu.memory_space<vmem>>, vector<10000x128xf32>
    %add3A_8 = arith.addf %add3A, %get3A_7 : vector<10000x128xf32>
    %get3A_9 = arith.constant 0 : index
    %get3A_10 = arith.constant 0 : index
    %get3A_11 = vector.load %arg3[%get3A_9, %get3A_10] : memref<128x128xf32, #tpu.memory_space<vmem>>, vector<128x128xf32>
    %dot_general3A = arith.constant dense<0.000000e+00> : vector<10000x128xf32>
    %dot_general3A_12 = tpu.matmul %add3A_8, %get3A_11, %dot_general3A {dimension_numbers = #tpu.dot_dimension_numbers<[1], [0], [0], [1], [0, 0, 1, 1], [], []>, transpose_lhs_hint = false} : vector<10000x128xf32>, vector<128x128xf32>, vector<10000x128xf32> -> vector<10000x128xf32>
    %get3A_13 = arith.constant 0 : index
    %get3A_14 = vector.load %arg4[%get3A_13] : memref<128xf32, #tpu.memory_space<vmem>>, vector<128xf32>
    %broadcast_in_dim3A = vector.shape_cast %get3A_14 : vector<128xf32> to vector<1x128xf32>
    %add3A_15 = vector.broadcast %broadcast_in_dim3A : vector<1x128xf32> to vector<10000x128xf32>
    %add3A_16 = arith.addf %dot_general3A_12, %add3A_15 : vector<10000x128xf32>
    %ge3A = arith.constant 0.000000e+00 : f32
    %ge3A_17 = vector.broadcast %ge3A : f32 to vector<10000x128xf32>
    %ge3A_18 = arith.cmpf oge, %add3A_16, %ge3A_17 : vector<10000x128xf32>
    %mul3A = arith.constant 2.000000e-01 : f32
    %mul3A_19 = vector.broadcast %mul3A : f32 to vector<10000x128xf32>
    %mul3A_20 = arith.mulf %mul3A_19, %add3A_16 : vector<10000x128xf32>
    %select_n3A = arith.select %ge3A_18, %add3A_16, %mul3A_20 : vector<10000x128xi1>, vector<10000x128xf32>
    %reduce_sum3A = arith.constant dense<0.000000e+00> : vector<128xf32>
    %reduce_sum3A_21 = vector.multi_reduction <add>, %select_n3A, %reduce_sum3A [0] : vector<10000x128xf32> to vector<128xf32>
    %div3A = arith.constant 1.000000e+04 : f32
    %div3A_22 = vector.broadcast %div3A : f32 to vector<128xf32>
    %div3A_23 = arith.divf %reduce_sum3A_21, %div3A_22 : vector<128xf32>
    %broadcast_in_dim3A_24 = vector.shape_cast %div3A_23 : vector<128xf32> to vector<1x128xf32>
    %sub3A = vector.broadcast %broadcast_in_dim3A_24 : vector<1x128xf32> to vector<10000x128xf32>
    %sub3A_25 = arith.subf %select_n3A, %sub3A : vector<10000x128xf32>
    %integer_pow3A = arith.mulf %sub3A_25, %sub3A_25 : vector<10000x128xf32>
    %reduce_sum3A_26 = arith.constant dense<0.000000e+00> : vector<128xf32>
    %reduce_sum3A_27 = vector.multi_reduction <add>, %integer_pow3A, %reduce_sum3A_26 [0] : vector<10000x128xf32> to vector<128xf32>
    %div3A_28 = arith.constant 1.000000e+04 : f32
    %div3A_29 = vector.broadcast %div3A_28 : f32 to vector<128xf32>
    %div3A_30 = arith.divf %reduce_sum3A_27, %div3A_29 : vector<128xf32>
    %broadcast_in_dim3A_31 = vector.shape_cast %div3A_23 : vector<128xf32> to vector<1x128xf32>
    %sub3A_32 = vector.broadcast %broadcast_in_dim3A_31 : vector<1x128xf32> to vector<10000x128xf32>
    %sub3A_33 = arith.subf %select_n3A, %sub3A_32 : vector<10000x128xf32>
    %add3A_34 = arith.constant 9.99999974E-6 : f32
    %add3A_35 = vector.broadcast %add3A_34 : f32 to vector<128xf32>
    %add3A_36 = arith.addf %div3A_30, %add3A_35 : vector<128xf32>
    %rsqrt3A = math.rsqrt %add3A_36 : vector<128xf32>
    %broadcast_in_dim3A_37 = vector.shape_cast %rsqrt3A : vector<128xf32> to vector<1x128xf32>
    %mul3A_38 = vector.broadcast %broadcast_in_dim3A_37 : vector<1x128xf32> to vector<10000x128xf32>
    %mul3A_39 = arith.mulf %sub3A_33, %mul3A_38 : vector<10000x128xf32>
    %get3A_40 = arith.constant 0 : index
    %get3A_41 = vector.load %arg5[%get3A_40] : memref<128xf32, #tpu.memory_space<vmem>>, vector<128xf32>
    %broadcast_in_dim3A_42 = vector.shape_cast %get3A_41 : vector<128xf32> to vector<1x128xf32>
    %mul3A_43 = vector.broadcast %broadcast_in_dim3A_42 : vector<1x128xf32> to vector<10000x128xf32>
    %mul3A_44 = arith.mulf %mul3A_39, %mul3A_43 : vector<10000x128xf32>
    %get3A_45 = arith.constant 0 : index
    %get3A_46 = vector.load %arg6[%get3A_45] : memref<128xf32, #tpu.memory_space<vmem>>, vector<128xf32>
    %broadcast_in_dim3A_47 = vector.shape_cast %get3A_46 : vector<128xf32> to vector<1x128xf32>
    %add3A_48 = vector.broadcast %broadcast_in_dim3A_47 : vector<1x128xf32> to vector<10000x128xf32>
    %add3A_49 = arith.addf %mul3A_44, %add3A_48 : vector<10000x128xf32>
    %get3A_50 = arith.constant 0 : index
    %get3A_51 = arith.constant 0 : index
    %get3A_52 = vector.load %arg7[%get3A_50, %get3A_51] : memref<128x128xf32, #tpu.memory_space<vmem>>, vector<128x128xf32>
    %dot_general3A_53 = arith.constant dense<0.000000e+00> : vector<10000x128xf32>
    %dot_general3A_54 = tpu.matmul %add3A_49, %get3A_52, %dot_general3A_53 {dimension_numbers = #tpu.dot_dimension_numbers<[1], [0], [0], [1], [0, 0, 1, 1], [], []>, transpose_lhs_hint = false} : vector<10000x128xf32>, vector<128x128xf32>, vector<10000x128xf32> -> vector<10000x128xf32>
    %get3A_55 = arith.constant 0 : index
    %get3A_56 = vector.load %arg8[%get3A_55] : memref<128xf32, #tpu.memory_space<vmem>>, vector<128xf32>
    %broadcast_in_dim3A_57 = vector.shape_cast %get3A_56 : vector<128xf32> to vector<1x128xf32>
    %add3A_58 = vector.broadcast %broadcast_in_dim3A_57 : vector<1x128xf32> to vector<10000x128xf32>
    %add3A_59 = arith.addf %dot_general3A_54, %add3A_58 : vector<10000x128xf32>
    %ge3A_60 = arith.constant 0.000000e+00 : f32
    %ge3A_61 = vector.broadcast %ge3A_60 : f32 to vector<10000x128xf32>
    %ge3A_62 = arith.cmpf oge, %add3A_59, %ge3A_61 : vector<10000x128xf32>
    %mul3A_63 = arith.constant 2.000000e-01 : f32
    %mul3A_64 = vector.broadcast %mul3A_63 : f32 to vector<10000x128xf32>
    %mul3A_65 = arith.mulf %mul3A_64, %add3A_59 : vector<10000x128xf32>
    %select_n3A_66 = arith.select %ge3A_62, %add3A_59, %mul3A_65 : vector<10000x128xi1>, vector<10000x128xf32>
    %iota3A = tpu.iota {dimensions = array<i32: 0>} : vector<16x10000xi32>
    %get3A_67 = arith.constant 0 : index
    %get3A_68 = arith.constant 0 : index
    %get3A_69 = vector.load %arg9[%get3A_67, %get3A_68] : memref<1x10000xi32, #tpu.memory_space<vmem>>, vector<1x10000xi32>
    %eq3A = vector.broadcast %get3A_69 : vector<1x10000xi32> to vector<16x10000xi32>
    %eq3A_70 = arith.cmpi eq, %iota3A, %eq3A : vector<16x10000xi32>
    %convert_element_type3A = arith.extui %eq3A_70 : vector<16x10000xi1> to vector<16x10000xi32>
    %convert_element_type3A_71 = arith.sitofp %convert_element_type3A : vector<16x10000xi32> to vector<16x10000xf32>
    %dot_general3A_72 = arith.constant dense<0.000000e+00> : vector<16x128xf32>
    %dot_general3A_73 = tpu.matmul %convert_element_type3A_71, %select_n3A_66, %dot_general3A_72 {dimension_numbers = #tpu.dot_dimension_numbers<[1], [0], [0], [1], [0, 0, 1, 1], [], []>, transpose_lhs_hint = false} : vector<16x10000xf32>, vector<10000x128xf32>, vector<16x128xf32> -> vector<16x128xf32>
    %reduce_sum3A_74 = arith.constant dense<0.000000e+00> : vector<128xf32>
    %reduce_sum3A_75 = vector.multi_reduction <add>, %dot_general3A_73, %reduce_sum3A_74 [0] : vector<16x128xf32> to vector<128xf32>
    %div3A_76 = arith.constant 1.600000e+01 : f32
    %div3A_77 = vector.broadcast %div3A_76 : f32 to vector<128xf32>
    %div3A_78 = arith.divf %reduce_sum3A_75, %div3A_77 : vector<128xf32>
    %broadcast_in_dim3A_79 = vector.shape_cast %div3A_78 : vector<128xf32> to vector<1x128xf32>
    %sub3A_80 = vector.broadcast %broadcast_in_dim3A_79 : vector<1x128xf32> to vector<16x128xf32>
    %sub3A_81 = arith.subf %dot_general3A_73, %sub3A_80 : vector<16x128xf32>
    %integer_pow3A_82 = arith.mulf %sub3A_81, %sub3A_81 : vector<16x128xf32>
    %reduce_sum3A_83 = arith.constant dense<0.000000e+00> : vector<128xf32>
    %reduce_sum3A_84 = vector.multi_reduction <add>, %integer_pow3A_82, %reduce_sum3A_83 [0] : vector<16x128xf32> to vector<128xf32>
    %div3A_85 = arith.constant 1.600000e+01 : f32
    %div3A_86 = vector.broadcast %div3A_85 : f32 to vector<128xf32>
    %div3A_87 = arith.divf %reduce_sum3A_84, %div3A_86 : vector<128xf32>
    %broadcast_in_dim3A_88 = vector.shape_cast %div3A_78 : vector<128xf32> to vector<1x128xf32>
    %sub3A_89 = vector.broadcast %broadcast_in_dim3A_88 : vector<1x128xf32> to vector<16x128xf32>
    %sub3A_90 = arith.subf %dot_general3A_73, %sub3A_89 : vector<16x128xf32>
    %add3A_91 = arith.constant 9.99999974E-6 : f32
    %add3A_92 = vector.broadcast %add3A_91 : f32 to vector<128xf32>
    %add3A_93 = arith.addf %div3A_87, %add3A_92 : vector<128xf32>
    %rsqrt3A_94 = math.rsqrt %add3A_93 : vector<128xf32>
    %broadcast_in_dim3A_95 = vector.shape_cast %rsqrt3A_94 : vector<128xf32> to vector<1x128xf32>
    %mul3A_96 = vector.broadcast %broadcast_in_dim3A_95 : vector<1x128xf32> to vector<16x128xf32>
    %mul3A_97 = arith.mulf %sub3A_90, %mul3A_96 : vector<16x128xf32>
    %get3A_98 = arith.constant 0 : index
    %get3A_99 = vector.load %arg10[%get3A_98] : memref<128xf32, #tpu.memory_space<vmem>>, vector<128xf32>
    %broadcast_in_dim3A_100 = vector.shape_cast %get3A_99 : vector<128xf32> to vector<1x128xf32>
    %mul3A_101 = vector.broadcast %broadcast_in_dim3A_100 : vector<1x128xf32> to vector<16x128xf32>
    %mul3A_102 = arith.mulf %mul3A_97, %mul3A_101 : vector<16x128xf32>
    %get3A_103 = arith.constant 0 : index
    %get3A_104 = vector.load %arg11[%get3A_103] : memref<128xf32, #tpu.memory_space<vmem>>, vector<128xf32>
    %broadcast_in_dim3A_105 = vector.shape_cast %get3A_104 : vector<128xf32> to vector<1x128xf32>
    %add3A_106 = vector.broadcast %broadcast_in_dim3A_105 : vector<1x128xf32> to vector<16x128xf32>
    %add3A_107 = arith.addf %mul3A_102, %add3A_106 : vector<16x128xf32>
    %get3A_108 = arith.constant 0 : index
    %get3A_109 = arith.constant 0 : index
    %get3A_110 = vector.load %arg12[%get3A_108, %get3A_109] : memref<128x64xf32, #tpu.memory_space<vmem>>, vector<128x64xf32>
    %dot_general3A_111 = arith.constant dense<0.000000e+00> : vector<16x64xf32>
    %dot_general3A_112 = tpu.matmul %add3A_107, %get3A_110, %dot_general3A_111 {dimension_numbers = #tpu.dot_dimension_numbers<[1], [0], [0], [1], [0, 0, 1, 1], [], []>, transpose_lhs_hint = false} : vector<16x128xf32>, vector<128x64xf32>, vector<16x64xf32> -> vector<16x64xf32>
    %get3A_113 = arith.constant 0 : index
    %get3A_114 = vector.load %arg13[%get3A_113] : memref<64xf32, #tpu.memory_space<vmem>>, vector<64xf32>
    %broadcast_in_dim3A_115 = vector.shape_cast %get3A_114 : vector<64xf32> to vector<1x64xf32>
    %add3A_116 = vector.broadcast %broadcast_in_dim3A_115 : vector<1x64xf32> to vector<16x64xf32>
    %add3A_117 = arith.addf %dot_general3A_112, %add3A_116 : vector<16x64xf32>
    %swap3A = arith.constant 0 : index
    %swap3A_118 = arith.constant 0 : index
    %swap3A_119 = vector.load %arg14[%swap3A, %swap3A_118] : memref<16x64xf32, #tpu.memory_space<vmem>>, vector<16x64xf32>
    tpu.vector_store %arg14[%swap3A, %swap3A_118], %add3A_117 {strides = array<i32>} : memref<16x64xf32, #tpu.memory_space<vmem>>, vector<16x64xf32>,
    return
  }
}

</mosaic_0001>

<sc_bundles>
// kernel: kernel.11.cloned.1.call-start
scs
__scs_entry_jumppad:
0x0: {  	(pc) =	sbr.rel $0x88, $3  }
0x1: {  	(tag) =	ssettag $0x0;
	lr =	simm.s32 $0x1  }
0x2: {  	[smem:$0x3F88] =	sst lr;
	_ =	strace $0xD0000000  }
0x3: {  	_ = 	snop  }
0x4: {  	_ = 	snop  }
0x5: {  	_ = 	snop  }
0x6: {  	_ = 	snop  }
0x7: {  	_ = 	snop  }
__scs_overlays_trampoline_lowered:
0x8: {  	[smem:$0x3F97] =	sst s0  }
0x9: {  	[smem:$0x3F98] =	sst s1  }
0xa: {  	[smem:$0x3F99] =	sst s2  }
0xb: {  	[smem:$0x3F9A] =	sst s3  }
0xc: {  	[smem:$0x3F9B] =	sst s4  }
0xd: {  	[smem:$0x3F9C] =	sst s5  }
0xe: {  	[smem:$0x3F9D] =	sst s6  }
0xf: {  	[smem:$0x3F9E] =	sst s7  }
0x10: {  	[smem:$0x3F9F] =	sst s8  }
0x11: {  	[smem:$0x3FA0] =	sst s9;
	s0 =	simm.s32 @!p0 $0x0  }
0x12: {  	s1 =	sld [smem:$0x3F86];
	s0 =	simm.s32 @p0 $0x1  }
0x13: {  	[smem:$0x3FA1] =	sst s0;
	s0 =	simm.s32 @!p1 $0x0  }
0x14: {  	s2 =	sld [smem:$0x3F85];
	s0 =	simm.s32 @p1 $0x1  }
0x15: {  	[smem:$0x3FA2] =	sst s0;
	s0 =	simm.s32 @!p2 $0x0  }
0x16: {  	s3 =	sld [smem:$0x3FDB];
	s0 =	simm.s32 @p2 $0x1  }
0x17: {  	s4 =	simm.s32 $0x1BF5;
	[smem:$0x3FA4] =	sst s0  }
0x18: {  	s0 =	sld [smem:$0x3F87];
	_ =	swait.ge [sflag:s4], $0x0  }
0x19: {  	s7 =	sld [smem:$0x3F88]  }
0x1a: {  	s8 =	sadd.s32 $0xFFFFE003, lr  }
0x1b: {  	s9 =	sadd.s32 $0xFFFFFEF7, lr;
	s5 =	simm.s32 $0xFFFFFFFF;
	p2 =	slt.u32 s8, $0xFFFFF086  }
0x1c: {  	p1 =	slt.u32 s9, $0xF7A;
	s5 =	simm.s32 @!p2 $0x0  }
0x1d: {  	s5 =	simm.s32 @p1 $0x1;
	p0 =	seq.s32 s7, s2  }
0x1e: {  	s7 =	smul.u32 @!p0 $0xF7A, s2;
	p2 =	seq.s32 @!p0 s5, $0x0  }
0x1f: {  	s9 =	smul.u32 $0xF7A, s1;
	s8 =	simm.s32 @!p0 $0x1BF5;
	p2 =	por !p2, p0  }
0x20: {  	[sflag:s8] =	ssyncset.s32 @!p0 $0xFFFFF086;
	s6 =	sadd.s32 @!p0 s3, s7;
	s7 =	simm.s32 @!p0 $0x108  }
0x21: {  	s3 =	sadd.s32 s3, s9;
	s6 =	sadd.s32 @!p0 $0x88, s6;
	s7 =	simm.s32 @p2 $0x1082  }
0x22: {  	[simem:s7], [sflag:s8] =	dma.local @!p0 [hbm:s6], $0xF7A  }
0x23: {  	s9 =	sor.u32 $0xD0000000, s2;
	s6 =	simm.s32 $0x108;
	_ =	swait.ge @!p0 [sflag:s8], $0x0  }
0x24: {  	s3 =	sadd.s32 $0x88, s3;
	s6 =	simm.s32 @!p1 $0x1082;
	[sflag:s4] =	ssyncset.s32 $0xFFFFF086  }
0x25: {  	[simem:s6], [sflag:s4] =	dma.local [hbm:s3], $0xF7A  }
0x26: {  	[smem:$0x3F88] =	sst s1;
	(tag) =	ssettag s2;
	_ =	strace s9  }
0x27: {  	s1 =	sld [smem:$0x3F98]  }
0x28: {  	s2 =	sld [smem:$0x3F99]  }
0x29: {  	s4 =	sld [smem:$0x3F9B]  }
0x2a: {  	p0 =	seq.s32 s5, $0x0;
	s5 =	sld [smem:$0x3F9C]  }
0x2b: {  	s6 =	sld [smem:$0x3F9D]  }
0x2c: {  	s7 =	sld [smem:$0x3F9E]  }
0x2d: {  	s3 =	simm.s32 $0x108;
	s8 =	sld [smem:$0x3F9F]  }
0x2e: {  	s3 =	simm.s32 @!p0 $0x1082;
	s9 =	sld [smem:$0x3FA0]  }
0x2f: {  	lr =	sadd.s32 s0, s3;
	s0 =	sld [smem:$0x3F97]  }
0x30: {  	s3 =	sld [smem:$0x3F9A]  }
0x31: {  	[smem:$0x3FA3] =	sst s10  }
0x32: {  	s10 =	sld [smem:$0x3FA1];
	_ =	sdelay $0x3  }
0x33: {  	p0 =	seq.s32 s10, $0x1;
	s10 =	sld [smem:$0x3FA3];
	_ =	sdelay $0x3  }
0x34: {  	[smem:$0x3FA3] =	sst s10  }
0x35: {  	s10 =	sld [smem:$0x3FA2];
	_ =	sdelay $0x3  }
0x36: {  	p1 =	seq.s32 s10, $0x1;
	s10 =	sld [smem:$0x3FA3];
	_ =	sdelay $0x3  }
0x37: {  	[smem:$0x3FA3] =	sst s10  }
0x38: {  	s10 =	sld [smem:$0x3FA4]  }
0x39: {  	_ = 	snop;
	(pc) =	sbr.ind lr, $3  }
0x3a: {  	_ = 	snop  }
0x3b: {  	_ = 	snop  }
0x3c: {  	p2 =	seq.s32 s10, $0x1;
	s10 =	sld [smem:$0x3FA3]  }
0x3d: {  	_ =	shalt  }
0x3e: {  	_ =	shalt  }
0x3f: {  	_ =	shalt  }
0x40: {  	_ =	shalt  }
0x41: {  	_ =	shalt  }
0x42: {  	_ =	shalt  }
0x43: {  	_ =	shalt  }
0x44: {  	_ =	shalt  }
0x45: {  	_ =	shalt  }
0x46: {  	_ =	shalt  }
0x47: {  	_ =	shalt  }
0x48: {  	_ =	shalt  }
0x49: {  	_ =	shalt  }
0x4a: {  	_ =	shalt  }
0x4b: {  	_ =	shalt  }
0x4c: {  	_ =	shalt  }
0x4d: {  	_ =	shalt  }
0x4e: {  	_ =	shalt  }
0x4f: {  	_ =	shalt  }
0x50: {  	_ =	shalt  }
0x51: {  	_ =	shalt  }
0x52: {  	_ =	shalt  }
0x53: {  	_ =	shalt  }
0x54: {  	_ =	shalt  }
0x55: {  	_ =	shalt  }
0x56: {  	_ =	shalt  }
0x57: {  	_ =	shalt  }
0x58: {  	_ =	shalt  }
0x59: {  	_ =	shalt  }
0x5a: {  	_ =	shalt  }
0x5b: {  	_ =	shalt  }
0x5c: {  	_ =	shalt  }
0x5d: {  	_ =	shalt  }
0x5e: {  	_ =	shalt  }
0x5f: {  	_ =	shalt  }
0x60: {  	_ =	shalt  }
0x61: {  	_ =	shalt  }
0x62: {  	_ =	shalt  }
0x63: {  	_ =	shalt  }
0x64: {  	_ =	shalt  }
0x65: {  	_ =	shalt  }
0x66: {  	_ =	shalt  }
0x67: {  	_ =	shalt  }
0x68: {  	_ =	shalt  }
0x69: {  	_ =	shalt  }
0x6a: {  	_ =	shalt  }
0x6b: {  	_ =	shalt  }
0x6c: {  	_ =	shalt  }
0x6d: {  	_ =	shalt  }
0x6e: {  	_ =	shalt  }
0x6f: {  	_ =	shalt  }
0x70: {  	_ =	shalt  }
0x71: {  	_ =	shalt  }
0x72: {  	_ =	shalt  }
0x73: {  	_ =	shalt  }
0x74: {  	_ =	shalt  }
0x75: {  	_ =	shalt  }
0x76: {  	_ =	shalt  }
0x77: {  	_ =	shalt  }
0x78: {  	_ =	shalt  }
0x79: {  	_ =	shalt  }
0x7a: {  	_ =	shalt  }
0x7b: {  	_ =	shalt  }
0x7c: {  	_ =	shalt  }
0x7d: {  	_ =	shalt  }
0x7e: {  	_ =	shalt  }
0x7f: {  	_ =	shalt  }
0x80: {  	_ =	shalt  }
0x81: {  	_ =	shalt  }
0x82: {  	_ =	shalt  }
0x83: {  	_ =	shalt  }
0x84: {  	_ =	shalt  }
0x85: {  	_ =	shalt  }
0x86: {  	_ =	shalt  }
0x87: {  	_ =	shalt  }
.Lfunc_end0:
.L_simem_size_0:
called_computation.1_lowered:
.L_overlay_start_0:
0x88: {  	s2 =	sld [smem:$0x3FD9]  }
0x89: {  	s3 =	sld [smem:$0x3FFE];
	_ =	sdelay $0x1  }
0x8a: {  	s1 =	srdreg.scid  }
0x8b: {  	s0 =	sand.u32 $0x1, s1  }
0x8c: {  	s16 =	sshll.u32 s0, $0xA;
	s2 =	sadd.s32 s3, s2  }
0x8d: {  	s2 =	sadd.s32 s2, s16  }
0x8e: {  	[smem:$0x3FAF] =	sst s2  }
0x8f: {  	_ = 	snop  }
0x90: {  	(tm) =	ssettm $0x1  }
0x91: {  	s17 =	sld [smem:$0x3FFB];
	_ =	sdelay $0x3  }
0x92: {  	_ =	strace s17  }
0x93: {  	s2 =	sld [smem:$0x3FFC];
	_ =	sdelay $0x3  }
0x94: {  	_ =	strace s2  }
0x95: {  	s2 =	sld [smem:$0x3FFD];
	_ =	sdelay $0x3  }
0x96: {  	_ =	strace s2  }
0x97: {  	_ =	strace $0x8FFFFFFF  }
0x98: {  	s18 =	sld [smem:$0x3FDB];
	_ =	sdelay $0x1  }
0x99: {  	s19 =	simm.s32 $_scs_section_size  }
0x9a: {  	s4 =	simm.s32 $_size__tile_overlayer_lowered;
	s5 =	simm.s32 $_tile_overlayer_lowered  }
0x9b: {  	s22 =	simm.s32 $0x1BFF;
	s21 =	sshll.u32 s5, $0x1;
	s2 =	sadd.s32 s19, s18  }
0x9c: {  	s6 =	simm.s32 $0x0;
	s20 =	sshll.u32 s4, $0x1;
	s4 =	sadd.s32 s21, s2  }
0x9d: {  	[timem:s6], [sflag:s22] =	dma.local [hbm:s4], s20  }
0x9e: {  	_ =	swait.ge [sflag:s22], s20  }
0x9f: {  	s3 =	ssub.s32 $0x0, s20;
	[sflag:s22] =	ssyncset.done $0x0  }
0xa0: {  	[sflag:s22] =	ssyncadd.s32 s3;
	_ =	sdelay $0x1  }
0xa1: {  	s23 =	simm.s32 $0x1B8B  }
0xa2: {  	_ =	swait.ge [sflag:s23], $0x1  }
0xa3: {  	[sflag:s23] =	ssyncset.done $0x0  }
0xa4: {  	s25 =	simm.s32 $0x1B8E;
	s24 =	sld [smem:$0x3FFE];
	[sflag:s23] =	ssyncadd.s32 $0xFFFFFFFF  }
0xa5: {  	s26 =	simm.s32 $execute0_lowered;
	[smem:$0x3FD2] =	sst s25  }
0xa6: {  	s4 =	sshll.u32 s26, $0x1;
	_ =	strace $0x80000049;
	[dreg:$0x1] =	wrdreg $0xFFFFFFFF  }
0xa7: {  	s28 =	simm.s32 $_size_execute0_lowered;
	s2 =	sadd.s32 s2, s4;
	[dreg:$0x0] =	wrdreg $0x0  }
0xa8: {  	s4 =	sshll.u32 s28, $0x1;
	[dreg:$0x2] =	wrdreg s2  }
0xa9: {  	[dreg:$0x3] =	wrdreg s4  }
0xaa: {  	[dreg:$0x4] =	wrdreg $0xC0  }
0xab: {  	_ =	task [dreg:s6], $0x5FFFF  }
0xac: {  	[dreg:$0x1] =	wrdreg $0xFFFFFFFF  }
0xad: {  	[dreg:$0x0] =	wrdreg $0x60  }
0xae: {  	[dreg:$0x2] =	wrdreg s24  }
0xaf: {  	[dreg:$0x3] =	wrdreg $0xA8000  }
0xb0: {  	[dreg:$0x4] =	wrdreg $0x9  }
0xb1: {  	_ =	task.clear_ibuf [dreg:s6], $0x5FFFF;
	_ =	strace $0x90000049  }
0xb2: {  	s29 =	simm.s32 $0x9;
	_ =	strace $0x8000004B  }
0xb3: {  	_ =	swait.ge [sflag:s29], $0x1  }
0xb4: {  	[sflag:s29] =	ssyncadd.s32 $0xFFFFFFFF  }
0xb5: {  	_ =	strace $0x9000004B  }
0xb6: {  	_ =	sfence  }
0xb7: {  	s30 =	sld [smem:$0x0];
	_ =	sdelay $0x2  }
0xb8: {  	s31 =	sshll.u32 s1, $0xD;
	s1 =	sshrl.u32 s1, $0x2  }
0xb9: {  	s3 =	sand.u32 $0x4000, s31;
	s1 =	sadd.s32 s1, s30  }
0xba: {  	s0 =	sor.u32 s3, s0;
	s1 =	sshll.u32 s1, $0x11  }
0xbb: {  	s0 =	sor.u32 s1, s0  }
0xbc: {  	s0 =	sadd.s32 $0x8F2B, s0  }
0xbd: {  	[sflag:s0] =	ssyncadd.remote.s32 $0x1  }
0xbe: {  	_ =	sfence.sel $0xFFFF  }
0xbf: {  	[dreg:$0x0] =	wrdreg $0xFFFFFFFF;
	(pc) =	sbr.abs _section_cstart, $3  }
0xc0: {  	[dreg:$0x1] =	wrdreg $0xFFFFFFFF  }
0xc1: {  	_ =	task.clear_ibuf [dreg:s6], $0x2FFFF;
	_ =	strace $0x9FFFFFFF  }
0xc2: {  	(tm) =	ssettm $0x7FFFFFFF  }
0xc3: {  	_ =	shalt  }
tec
execute0_lowered:
.L_overlay_start_1:
0x0: {  	(tag) =	ssettag $0x1  }
0x1: {  	s5 =	rddreg [dreg:$0x0]  }
0x2: {  	s2 =	rddreg [dreg:$0x1]  }
0x3: {  	s0 =	rddreg [dreg:$0x2];
	s3 =	simm.s32 $0x0;
	s1 =	stileid.u32  }
0x4: {  	s4 =	srdreg.scid;
	s16 =	simm.s32 $0x80;
	s17 =	simm.s32 $0x2800  }
0x5: {  	s18 =	simm.s32 $0x6800;
	s19 =	simm.s32 $0x1;
	s20 =	simm.s32 $0x2  }
0x6: {  	s21 =	simm.s32 $0x3;
	s22 =	simm.s32 $0x4;
	s23 =	simm.s32 $0x0  }
0x7: {  	[smem:$0x7FF] =	sst s3;
	s6 =	smul.u32 $0x13C00, s1;
	s7 =	sand.u32 $0x1, s4  }
0x8: {  	s4 =	sadd.s32 $0x40E00, s5;
	s11 =	sadd.s32 $0x5600, s5;
	s12 =	sadd.s32 $0xF600, s5  }
0x9: {  	s10 =	smul.u32 $0x4F000, s1;
	s30 =	sshll.u32 s1, $0x6;
	_ =	strace $0x8000004A  }
0xa: {  	s8 =	smul.u32 $0x13C000, s7;
	s24 =	sshll.u32 s7, $0x4;
	s25 =	ssub.s32 $0x2, s7  }
0xb: {  	s9 =	sshrl.u32 s6, $0x3;
	s26 =	sor.u32 s1, s24;
	s7 =	sshrl.u32 s25, $0x1  }
0xc: {  	s28 =	sshrl.u32 s10, $0x2;
	s9 =	sadd.s32 s9, s5;
	s6 =	sadd.s32 s6, s8  }
0xd: {  	s29 =	smul.u32 $0x2800, s26;
	s14 =	ssub.s32 s25, s7;
	s15 =	sadd.s32 s28, s2  }
0xe: {  	s6 =	sshrl.u32 s6, $0x3;
	s8 =	smax.u32 s14, $0x1;
	s14 =	simm.s32 $0x5  }
0xf: {  	s13 =	sadd.s32 s6, s5;
	s5 =	sadd.s32 $0x19600, s9;
	s10 =	sshrl.u32 s29, $0x3  }
0x10: {  	s6 =	sor.u32 $0x1C05, s30;
	s7 =	sadd.s32 $0x68000, s13;
	s31 =	sadd.s32 $0x280, s10  }
0x11: {  	s9 =	sadd.s32 s11, s10;
	s10 =	sadd.s32 s12, s10;
	s13 =	sshrl.u32 s15, $0x3  }
0x12: {  	s15 =	simm.s32 $0x1400;
	s11 =	sadd.s32 s11, s31;
	s12 =	sadd.s32 s12, s31  }
.LBB2_1:
0x13: {  	[spmem:s13], [sflag:s6] =	dma.local [hbm:s5], $0x2780  }
0x14: {  	_ =	swait.ge [sflag:s14], $0x2780  }
0x15: {  	[sflag:s14] =	ssyncset.done $0x0  }
0x16: {  	[sflag:s14] =	ssyncadd.s32 $0xFFFFD880  }
0x17: {  	[bflag:$0x0] =	sbarrier.arrive $0xFFFF  }
0x18: {  	[tilespmem:s3], [sflag:$0x5] =	stream.linear.gather [hbm4b:s9+s3], $0x1400, $0x38;
	[tilespmem:$0x1E400] =	vst v63  }
0x19: {  	_ =	swait.ge [sflag:s14], $0x1400  }
0x1a: {  	[sflag:s14] =	ssyncset.done $0x0  }
0x1b: {  	[sflag:s14] =	ssyncadd.s32 $0xFFFFEC00  }
0x1c: {  	[tilespmem:s15], [sflag:$0x5] =	stream.linear.gather [hbm4b:s10+s3], $0x1400, $0x38;
	[tilespmem:$0x1E400] =	vst v63  }
0x1d: {  	_ =	swait.ge [sflag:s14], $0x1400  }
0x1e: {  	[sflag:s14] =	ssyncset.done $0x0  }
0x1f: {  	s24 =	simm.s32 $0x0;
	[sflag:s14] =	ssyncadd.s32 $0xFFFFEC00  }
0x20: {  	[tilespmem:s17], [sflag:$0x1] =	stream.indirect.gather [hbm4b:s4+s16], $0x80, s24, s16, $0xb8;
	[tilespmem:$0x1E400] =	vst v63  }
0x21: {  	s29 =	simm.s32 $0x80  }
0x22: {  	[tilespmem:s18], [sflag:$0x2] =	stream.indirect.gather [hbm4b:s4+s16], $0x80, s29, s16, $0xb8;
	[tilespmem:$0x1E400] =	vst v63  }
0x23: {  	_ =	swait.ge [sflag:s19], $0x4000  }
0x24: {  	[sflag:s19] =	ssyncset.done $0x0  }
0x25: {  	s30 =	simm.s32 $0x1400;
	[sflag:s19] =	ssyncadd.s32 $0xFFFFC000  }
0x26: {  	[spmem:s2] =	stream.indirect.scatter.add.f32 [tilespmem:s17], [sflag:$0x3], $0x80, s30, s16, $0xb8;
	[tilespmem:$0x1E400] =	vst v63  }
0x27: {  	_ =	swait.ge [sflag:s20], $0x4000  }
0x28: {  	[sflag:s20] =	ssyncset.done $0x0  }
0x29: {  	s31 =	simm.s32 $0x1480;
	[sflag:s20] =	ssyncadd.s32 $0xFFFFC000  }
0x2a: {  	[spmem:s2] =	stream.indirect.scatter.add.f32 [tilespmem:s18], [sflag:$0x4], $0x80, s31, s16, $0xb8;
	[tilespmem:$0x1E400] =	vst v63  }
0x2b: {  	_ =	swait.ge [sflag:s21], $0x4000  }
0x2c: {  	[sflag:s21] =	ssyncset.done $0x0  }
0x2d: {  	[sflag:s21] =	ssyncadd.s32 $0xFFFFC000  }
0x2e: {  	_ =	swait.ge [sflag:s22], $0x4000  }
0x2f: {  	s25 =	simm.s32 $0x800;
	s24 =	simm.s32 $0x400;
	[sflag:s22] =	ssyncset.done $0x0  }
.LBB2_2:
0x30: {  	s26 =	sshra.s32 s24, $0x2  }
0x31: {  	[sflag:s22] =	ssyncadd.s32 $0xFFFFC000;
	s24 =	smov.u32 s25;
	s28 =	sadd.s32 $0x400, s25  }
0x32: {  	[tilespmem:s17], [sflag:$0x1] =	stream.indirect.gather [hbm4b:s4+s16], $0x80, s26, s16, $0xb8;
	[tilespmem:$0x1E400] =	vst v63  }
0x33: {  	p0 =	sne.s32 s25, $0x4C00;
	s25 =	sadd.s32 $0x80, s26  }
0x34: {  	[tilespmem:s18], [sflag:$0x2] =	stream.indirect.gather [hbm4b:s4+s16], $0x80, s25, s16, $0xb8;
	[tilespmem:$0x1E400] =	vst v63  }
0x35: {  	_ =	swait.ge [sflag:s19], $0x4000  }
0x36: {  	[sflag:s19] =	ssyncset.done $0x0  }
0x37: {  	s25 =	sadd.s32 $0x1400, s26;
	[sflag:s19] =	ssyncadd.s32 $0xFFFFC000  }
0x38: {  	[spmem:s2] =	stream.indirect.scatter.add.f32 [tilespmem:s17], [sflag:$0x3], $0x80, s25, s16, $0xb8;
	[tilespmem:$0x1E400] =	vst v63  }
0x39: {  	_ =	swait.ge [sflag:s20], $0x4000  }
0x3a: {  	[sflag:s20] =	ssyncset.done $0x0  }
0x3b: {  	s25 =	sadd.s32 $0x1480, s26;
	[sflag:s20] =	ssyncadd.s32 $0xFFFFC000  }
0x3c: {  	[spmem:s2] =	stream.indirect.scatter.add.f32 [tilespmem:s18], [sflag:$0x4], $0x80, s25, s16, $0xb8;
	[tilespmem:$0x1E400] =	vst v63  }
.Ltmp0:
0x3d: {  	_ =	swait.ge [sflag:s21], $0x4000;
	(pc) =	sbr.rel @p0 .LBB2_2-.Ltmp0, $4  }
0x3e: {  	[sflag:s21] =	ssyncset.done $0x0  }
0x3f: {  	[sflag:s21] =	ssyncadd.s32 $0xFFFFC000  }
0x40: {  	_ =	swait.ge [sflag:s22], $0x4000  }
0x41: {  	s25 =	smov.u32 s28;
	[sflag:s22] =	ssyncset.done $0x0  }
0x42: {  	s24 =	sshra.s32 s24, $0x2;
	[sflag:s22] =	ssyncadd.s32 $0xFFFFC000  }
0x43: {  	[tilespmem:s17], [sflag:$0x1] =	stream.indirect.gather [hbm4b:s4+s16], $0x80, s24, s16, $0xb8;
	[tilespmem:$0x1E400] =	vst v63  }
0x44: {  	s25 =	sadd.s32 $0x80, s24  }
0x45: {  	[tilespmem:s18], [sflag:$0x2] =	stream.indirect.gather [hbm4b:s4+s16], $0x80, s25, s16, $0xb8;
	[tilespmem:$0x1E400] =	vst v63  }
0x46: {  	_ =	swait.ge [sflag:s19], $0x4000  }
0x47: {  	[sflag:s19] =	ssyncset.done $0x0  }
0x48: {  	s31 =	sadd.s32 $0x1400, s24;
	[sflag:s19] =	ssyncadd.s32 $0xFFFFC000  }
0x49: {  	[spmem:s2] =	stream.indirect.scatter.add.f32 [tilespmem:s17], [sflag:$0x3], $0x80, s31, s16, $0xb8;
	[tilespmem:$0x1E400] =	vst v63  }
0x4a: {  	_ =	swait.ge [sflag:s20], $0x4000  }
0x4b: {  	[sflag:s20] =	ssyncset.done $0x0  }
0x4c: {  	s24 =	sadd.s32 $0x1480, s24;
	[sflag:s20] =	ssyncadd.s32 $0xFFFFC000  }
0x4d: {  	[spmem:s2] =	stream.indirect.scatter.add.f32 [tilespmem:s18], [sflag:$0x4], $0x80, s24, s16, $0xb8;
	[tilespmem:$0x1E400] =	vst v63  }
0x4e: {  	_ =	swait.ge [sflag:s21], $0x4000  }
0x4f: {  	[sflag:s21] =	ssyncset.done $0x0  }
0x50: {  	[sflag:s21] =	ssyncadd.s32 $0xFFFFC000  }
0x51: {  	_ =	swait.ge [sflag:s22], $0x4000  }
0x52: {  	[sflag:s22] =	ssyncset.done $0x0  }
0x53: {  	s26 =	simm.s32 $0x0;
	[sflag:s22] =	ssyncadd.s32 $0xFFFFC000  }
0x54: {  	[tilespmem:s26], [sflag:$0x5] =	stream.linear.gather [hbm4b:s11+s26], $0x1400, $0x38;
	[tilespmem:$0x1E400] =	vst v63  }
0x55: {  	_ =	swait.ge [sflag:s14], $0x1400  }
0x56: {  	[sflag:s14] =	ssyncset.done $0x0  }
0x57: {  	[sflag:s14] =	ssyncadd.s32 $0xFFFFEC00  }
0x58: {  	[tilespmem:s15], [sflag:$0x5] =	stream.linear.gather [hbm4b:s12+s26], $0x1400, $0x38;
	[tilespmem:$0x1E400] =	vst v63  }
0x59: {  	_ =	swait.ge [sflag:s14], $0x1400  }
0x5a: {  	[sflag:s14] =	ssyncset.done $0x0  }
0x5b: {  	s28 =	simm.s32 $0x0;
	[sflag:s14] =	ssyncadd.s32 $0xFFFFEC00  }
0x5c: {  	[tilespmem:s17], [sflag:$0x1] =	stream.indirect.gather [hbm4b:s4+s16], $0x80, s28, s16, $0xb8;
	[tilespmem:$0x1E400] =	vst v63  }
0x5d: {  	s29 =	simm.s32 $0x80  }
0x5e: {  	[tilespmem:s18], [sflag:$0x2] =	stream.indirect.gather [hbm4b:s4+s16], $0x80, s29, s16, $0xb8;
	[tilespmem:$0x1E400] =	vst v63  }
0x5f: {  	_ =	swait.ge [sflag:s19], $0x4000  }
0x60: {  	[sflag:s19] =	ssyncset.done $0x0  }
0x61: {  	s30 =	simm.s32 $0x1400;
	[sflag:s19] =	ssyncadd.s32 $0xFFFFC000  }
0x62: {  	[spmem:s2] =	stream.indirect.scatter.add.f32 [tilespmem:s17], [sflag:$0x3], $0x80, s30, s16, $0xb8;
	[tilespmem:$0x1E400] =	vst v63  }
0x63: {  	_ =	swait.ge [sflag:s20], $0x4000  }
0x64: {  	[sflag:s20] =	ssyncset.done $0x0  }
0x65: {  	s31 =	simm.s32 $0x1480;
	[sflag:s20] =	ssyncadd.s32 $0xFFFFC000  }
0x66: {  	[spmem:s2] =	stream.indirect.scatter.add.f32 [tilespmem:s18], [sflag:$0x4], $0x80, s31, s16, $0xb8;
	[tilespmem:$0x1E400] =	vst v63  }
0x67: {  	_ =	swait.ge [sflag:s21], $0x4000  }
0x68: {  	[sflag:s21] =	ssyncset.done $0x0  }
0x69: {  	[sflag:s21] =	ssyncadd.s32 $0xFFFFC000  }
0x6a: {  	_ =	swait.ge [sflag:s22], $0x4000  }
0x6b: {  	s25 =	simm.s32 $0x800;
	s24 =	simm.s32 $0x400;
	[sflag:s22] =	ssyncset.done $0x0  }
.LBB2_4:
0x6c: {  	s26 =	sshra.s32 s24, $0x2  }
0x6d: {  	[sflag:s22] =	ssyncadd.s32 $0xFFFFC000;
	s24 =	smov.u32 s25;
	s28 =	sadd.s32 $0x400, s25  }
0x6e: {  	[tilespmem:s17], [sflag:$0x1] =	stream.indirect.gather [hbm4b:s4+s16], $0x80, s26, s16, $0xb8;
	[tilespmem:$0x1E400] =	vst v63  }
0x6f: {  	p0 =	sne.s32 s25, $0x4C00;
	s25 =	sadd.s32 $0x80, s26  }
0x70: {  	[tilespmem:s18], [sflag:$0x2] =	stream.indirect.gather [hbm4b:s4+s16], $0x80, s25, s16, $0xb8;
	[tilespmem:$0x1E400] =	vst v63  }
0x71: {  	_ =	swait.ge [sflag:s19], $0x4000  }
0x72: {  	[sflag:s19] =	ssyncset.done $0x0  }
0x73: {  	s25 =	sadd.s32 $0x1400, s26;
	[sflag:s19] =	ssyncadd.s32 $0xFFFFC000  }
0x74: {  	[spmem:s2] =	stream.indirect.scatter.add.f32 [tilespmem:s17], [sflag:$0x3], $0x80, s25, s16, $0xb8;
	[tilespmem:$0x1E400] =	vst v63  }
0x75: {  	_ =	swait.ge [sflag:s20], $0x4000  }
0x76: {  	[sflag:s20] =	ssyncset.done $0x0  }
0x77: {  	s25 =	sadd.s32 $0x1480, s26;
	[sflag:s20] =	ssyncadd.s32 $0xFFFFC000  }
0x78: {  	[spmem:s2] =	stream.indirect.scatter.add.f32 [tilespmem:s18], [sflag:$0x4], $0x80, s25, s16, $0xb8;
	[tilespmem:$0x1E400] =	vst v63  }
.Ltmp1:
0x79: {  	_ =	swait.ge [sflag:s21], $0x4000;
	(pc) =	sbr.rel @p0 .LBB2_4-.Ltmp1, $4  }
0x7a: {  	[sflag:s21] =	ssyncset.done $0x0  }
0x7b: {  	[sflag:s21] =	ssyncadd.s32 $0xFFFFC000  }
0x7c: {  	_ =	swait.ge [sflag:s22], $0x4000  }
0x7d: {  	s25 =	smov.u32 s28;
	[sflag:s22] =	ssyncset.done $0x0  }
0x7e: {  	s24 =	sshra.s32 s24, $0x2;
	[sflag:s22] =	ssyncadd.s32 $0xFFFFC000  }
0x7f: {  	[tilespmem:s17], [sflag:$0x1] =	stream.indirect.gather [hbm4b:s4+s16], $0x80, s24, s16, $0xb8;
	[tilespmem:$0x1E400] =	vst v63  }
0x80: {  	s25 =	sadd.s32 $0x80, s24  }
0x81: {  	[tilespmem:s18], [sflag:$0x2] =	stream.indirect.gather [hbm4b:s4+s16], $0x80, s25, s16, $0xb8;
	[tilespmem:$0x1E400] =	vst v63  }
0x82: {  	_ =	swait.ge [sflag:s19], $0x4000  }
0x83: {  	[sflag:s19] =	ssyncset.done $0x0  }
0x84: {  	s31 =	sadd.s32 $0x1400, s24;
	[sflag:s19] =	ssyncadd.s32 $0xFFFFC000  }
0x85: {  	[spmem:s2] =	stream.indirect.scatter.add.f32 [tilespmem:s17], [sflag:$0x3], $0x80, s31, s16, $0xb8;
	[tilespmem:$0x1E400] =	vst v63  }
0x86: {  	_ =	swait.ge [sflag:s20], $0x4000  }
0x87: {  	[sflag:s20] =	ssyncset.done $0x0  }
0x88: {  	s24 =	sadd.s32 $0x1480, s24;
	[sflag:s20] =	ssyncadd.s32 $0xFFFFC000  }
0x89: {  	[spmem:s2] =	stream.indirect.scatter.add.f32 [tilespmem:s18], [sflag:$0x4], $0x80, s24, s16, $0xb8;
	[tilespmem:$0x1E400] =	vst v63  }
0x8a: {  	_ =	swait.ge [sflag:s21], $0x4000  }
0x8b: {  	[sflag:s21] =	ssyncset.done $0x0  }
0x8c: {  	[sflag:s21] =	ssyncadd.s32 $0xFFFFC000  }
0x8d: {  	_ =	swait.ge [sflag:s22], $0x4000  }
0x8e: {  	s23 =	sadd.s32 $0x1, s23;
	[sflag:s22] =	ssyncset.done $0x0  }
0x8f: {  	p0 =	sne.s32 s23, s8;
	[sflag:s22] =	ssyncadd.s32 $0xFFFFC000  }
.Ltmp2:
0x90: {  	[bflag:$0x0] =	sbarrier.arrive $0xFFFF;
	(pc) =	sbr.rel @p0 .LBB2_1-.Ltmp2, $4  }
0x91: {  	[hbm:s7], [sflag:s6] =	dma.local [spmem:s13], $0x2780  }
0x92: {  	_ =	swait.ge [sflag:s14], $0x2780  }
0x93: {  	[sflag:s14] =	ssyncset.done $0x0  }
0x94: {  	[sflag:s14] =	ssyncadd.s32 $0xFFFFD880  }
0x95: {  	_ =	sfence.sel $0x180000  }
0x96: {  	[bflag:$0x0] =	sbarrier.arrive $0xFFFF  }
0x97: {  	p0 =	sne.s32 s1, $0x0;
	_ =	strace $0x9000004A  }
0x98: {  	s0 =	sadd.s32 @!p0 $0x100000, s0;
	[bflag:$0x2] =	sbarrier.arrive $0xFFFF  }
0x99: {  	[sflag:s0] =	ssyncadd.tile.s32 @!p0 $0x1;
	_ =	shalt  }
.Lfunc_end2:
_tile_overlayer_lowered:
.L_overlay_start_2:
0x9a: {  	(tag) =	ssettag $0x2  }
0x9b: {  	s0 =	rddreg [dreg:$0x0];
	s2 =	stileid.u32  }
0x9c: {  	s1 =	rddreg [dreg:$0x1];
	p0 =	sne.s32 s2, $0x0  }
0x9d: {  	s3 =	rddreg [dreg:$0x2];
	[bflag:$0x3] =	sbarrier.arrive $0xFFFF;
	s2 =	simm.s32 @!p0 $0x1C05  }
0x9e: {  	[timem:s3], [sflag:s2] =	dma.local @!p0 [hbm:s0], s1  }
0x9f: {  	s0 =	simm.s32 @!p0 $0x5  }
0xa0: {  	_ =	swait.ge @!p0 [sflag:s0], s1  }
0xa1: {  	s1 =	ssub.s32 @!p0 $0x0, s1;
	[sflag:s0] =	ssyncset.done @!p0 $0x0  }
0xa2: {  	[sflag:s0] =	ssyncadd.s32 @!p0 s1  }
0xa3: {  	[bflag:$0x3] =	sbarrier.arrive $0xFFFF  }
0xa4: {  	_ =	shalt  }

// kernel: kernel.14.cloned.1.call-start
scs
__scs_entry_jumppad:
0x0: {  	(pc) =	sbr.rel $0x88, $3  }
0x1: {  	(tag) =	ssettag $0x0;
	lr =	simm.s32 $0x1  }
0x2: {  	[smem:$0x3F88] =	sst lr;
	_ =	strace $0xD0000000  }
0x3: {  	_ = 	snop  }
0x4: {  	_ = 	snop  }
0x5: {  	_ = 	snop  }
0x6: {  	_ = 	snop  }
0x7: {  	_ = 	snop  }
__scs_overlays_trampoline_lowered:
0x8: {  	[smem:$0x3F97] =	sst s0  }
0x9: {  	[smem:$0x3F98] =	sst s1  }
0xa: {  	[smem:$0x3F99] =	sst s2  }
0xb: {  	[smem:$0x3F9A] =	sst s3  }
0xc: {  	[smem:$0x3F9B] =	sst s4  }
0xd: {  	[smem:$0x3F9C] =	sst s5  }
0xe: {  	[smem:$0x3F9D] =	sst s6  }
0xf: {  	[smem:$0x3F9E] =	sst s7  }
0x10: {  	[smem:$0x3F9F] =	sst s8  }
0x11: {  	[smem:$0x3FA0] =	sst s9;
	s0 =	simm.s32 @!p0 $0x0  }
0x12: {  	s1 =	sld [smem:$0x3F86];
	s0 =	simm.s32 @p0 $0x1  }
0x13: {  	[smem:$0x3FA1] =	sst s0;
	s0 =	simm.s32 @!p1 $0x0  }
0x14: {  	s2 =	sld [smem:$0x3F85];
	s0 =	simm.s32 @p1 $0x1  }
0x15: {  	[smem:$0x3FA2] =	sst s0;
	s0 =	simm.s32 @!p2 $0x0  }
0x16: {  	s3 =	sld [smem:$0x3FDB];
	s0 =	simm.s32 @p2 $0x1  }
0x17: {  	s4 =	simm.s32 $0x1BF5;
	[smem:$0x3FA4] =	sst s0  }
0x18: {  	s0 =	sld [smem:$0x3F87];
	_ =	swait.ge [sflag:s4], $0x0  }
0x19: {  	s7 =	sld [smem:$0x3F88]  }
0x1a: {  	s8 =	sadd.s32 $0xFFFFE003, lr  }
0x1b: {  	s9 =	sadd.s32 $0xFFFFFEF7, lr;
	s5 =	simm.s32 $0xFFFFFFFF;
	p2 =	slt.u32 s8, $0xFFFFF086  }
0x1c: {  	p1 =	slt.u32 s9, $0xF7A;
	s5 =	simm.s32 @!p2 $0x0  }
0x1d: {  	s5 =	simm.s32 @p1 $0x1;
	p0 =	seq.s32 s7, s2  }
0x1e: {  	s7 =	smul.u32 @!p0 $0xF7A, s2;
	p2 =	seq.s32 @!p0 s5, $0x0  }
0x1f: {  	s9 =	smul.u32 $0xF7A, s1;
	s8 =	simm.s32 @!p0 $0x1BF5;
	p2 =	por !p2, p0  }
0x20: {  	[sflag:s8] =	ssyncset.s32 @!p0 $0xFFFFF086;
	s6 =	sadd.s32 @!p0 s3, s7;
	s7 =	simm.s32 @!p0 $0x108  }
0x21: {  	s3 =	sadd.s32 s3, s9;
	s6 =	sadd.s32 @!p0 $0x88, s6;
	s7 =	simm.s32 @p2 $0x1082  }
0x22: {  	[simem:s7], [sflag:s8] =	dma.local @!p0 [hbm:s6], $0xF7A  }
0x23: {  	s9 =	sor.u32 $0xD0000000, s2;
	s6 =	simm.s32 $0x108;
	_ =	swait.ge @!p0 [sflag:s8], $0x0  }
0x24: {  	s3 =	sadd.s32 $0x88, s3;
	s6 =	simm.s32 @!p1 $0x1082;
	[sflag:s4] =	ssyncset.s32 $0xFFFFF086  }
0x25: {  	[simem:s6], [sflag:s4] =	dma.local [hbm:s3], $0xF7A  }
0x26: {  	[smem:$0x3F88] =	sst s1;
	(tag) =	ssettag s2;
	_ =	strace s9  }
0x27: {  	s1 =	sld [smem:$0x3F98]  }
0x28: {  	s2 =	sld [smem:$0x3F99]  }
0x29: {  	s4 =	sld [smem:$0x3F9B]  }
0x2a: {  	p0 =	seq.s32 s5, $0x0;
	s5 =	sld [smem:$0x3F9C]  }
0x2b: {  	s6 =	sld [smem:$0x3F9D]  }
0x2c: {  	s7 =	sld [smem:$0x3F9E]  }
0x2d: {  	s3 =	simm.s32 $0x108;
	s8 =	sld [smem:$0x3F9F]  }
0x2e: {  	s3 =	simm.s32 @!p0 $0x1082;
	s9 =	sld [smem:$0x3FA0]  }
0x2f: {  	lr =	sadd.s32 s0, s3;
	s0 =	sld [smem:$0x3F97]  }
0x30: {  	s3 =	sld [smem:$0x3F9A]  }
0x31: {  	[smem:$0x3FA3] =	sst s10  }
0x32: {  	s10 =	sld [smem:$0x3FA1];
	_ =	sdelay $0x3  }
0x33: {  	p0 =	seq.s32 s10, $0x1;
	s10 =	sld [smem:$0x3FA3];
	_ =	sdelay $0x3  }
0x34: {  	[smem:$0x3FA3] =	sst s10  }
0x35: {  	s10 =	sld [smem:$0x3FA2];
	_ =	sdelay $0x3  }
0x36: {  	p1 =	seq.s32 s10, $0x1;
	s10 =	sld [smem:$0x3FA3];
	_ =	sdelay $0x3  }
0x37: {  	[smem:$0x3FA3] =	sst s10  }
0x38: {  	s10 =	sld [smem:$0x3FA4]  }
0x39: {  	_ = 	snop;
	(pc) =	sbr.ind lr, $3  }
0x3a: {  	_ = 	snop  }
0x3b: {  	_ = 	snop  }
0x3c: {  	p2 =	seq.s32 s10, $0x1;
	s10 =	sld [smem:$0x3FA3]  }
0x3d: {  	_ =	shalt  }
0x3e: {  	_ =	shalt  }
0x3f: {  	_ =	shalt  }
0x40: {  	_ =	shalt  }
0x41: {  	_ =	shalt  }
0x42: {  	_ =	shalt  }
0x43: {  	_ =	shalt  }
0x44: {  	_ =	shalt  }
0x45: {  	_ =	shalt  }
0x46: {  	_ =	shalt  }
0x47: {  	_ =	shalt  }
0x48: {  	_ =	shalt  }
0x49: {  	_ =	shalt  }
0x4a: {  	_ =	shalt  }
0x4b: {  	_ =	shalt  }
0x4c: {  	_ =	shalt  }
0x4d: {  	_ =	shalt  }
0x4e: {  	_ =	shalt  }
0x4f: {  	_ =	shalt  }
0x50: {  	_ =	shalt  }
0x51: {  	_ =	shalt  }
0x52: {  	_ =	shalt  }
0x53: {  	_ =	shalt  }
0x54: {  	_ =	shalt  }
0x55: {  	_ =	shalt  }
0x56: {  	_ =	shalt  }
0x57: {  	_ =	shalt  }
0x58: {  	_ =	shalt  }
0x59: {  	_ =	shalt  }
0x5a: {  	_ =	shalt  }
0x5b: {  	_ =	shalt  }
0x5c: {  	_ =	shalt  }
0x5d: {  	_ =	shalt  }
0x5e: {  	_ =	shalt  }
0x5f: {  	_ =	shalt  }
0x60: {  	_ =	shalt  }
0x61: {  	_ =	shalt  }
0x62: {  	_ =	shalt  }
0x63: {  	_ =	shalt  }
0x64: {  	_ =	shalt  }
0x65: {  	_ =	shalt  }
0x66: {  	_ =	shalt  }
0x67: {  	_ =	shalt  }
0x68: {  	_ =	shalt  }
0x69: {  	_ =	shalt  }
0x6a: {  	_ =	shalt  }
0x6b: {  	_ =	shalt  }
0x6c: {  	_ =	shalt  }
0x6d: {  	_ =	shalt  }
0x6e: {  	_ =	shalt  }
0x6f: {  	_ =	shalt  }
0x70: {  	_ =	shalt  }
0x71: {  	_ =	shalt  }
0x72: {  	_ =	shalt  }
0x73: {  	_ =	shalt  }
0x74: {  	_ =	shalt  }
0x75: {  	_ =	shalt  }
0x76: {  	_ =	shalt  }
0x77: {  	_ =	shalt  }
0x78: {  	_ =	shalt  }
0x79: {  	_ =	shalt  }
0x7a: {  	_ =	shalt  }
0x7b: {  	_ =	shalt  }
0x7c: {  	_ =	shalt  }
0x7d: {  	_ =	shalt  }
0x7e: {  	_ =	shalt  }
0x7f: {  	_ =	shalt  }
0x80: {  	_ =	shalt  }
0x81: {  	_ =	shalt  }
0x82: {  	_ =	shalt  }
0x83: {  	_ =	shalt  }
0x84: {  	_ =	shalt  }
0x85: {  	_ =	shalt  }
0x86: {  	_ =	shalt  }
0x87: {  	_ =	shalt  }
.Lfunc_end0:
.L_simem_size_0:
called_computation.2_lowered:
.L_overlay_start_0:
0x88: {  	s2 =	sld [smem:$0x3FD9]  }
0x89: {  	s3 =	sld [smem:$0x3FFE];
	_ =	sdelay $0x1  }
0x8a: {  	s1 =	srdreg.scid  }
0x8b: {  	s0 =	sand.u32 $0x1, s1  }
0x8c: {  	s16 =	sshll.u32 s0, $0xA;
	s2 =	sadd.s32 s3, s2  }
0x8d: {  	s2 =	sadd.s32 s2, s16  }
0x8e: {  	[smem:$0x3FAF] =	sst s2  }
0x8f: {  	_ = 	snop  }
0x90: {  	(tm) =	ssettm $0x1  }
0x91: {  	s17 =	sld [smem:$0x3FFB];
	_ =	sdelay $0x3  }
0x92: {  	_ =	strace s17  }
0x93: {  	s2 =	sld [smem:$0x3FFC];
	_ =	sdelay $0x3  }
0x94: {  	_ =	strace s2  }
0x95: {  	s2 =	sld [smem:$0x3FFD];
	_ =	sdelay $0x3  }
0x96: {  	_ =	strace s2  }
0x97: {  	_ =	strace $0x8FFFFFFF  }
0x98: {  	s18 =	sld [smem:$0x3FDB];
	_ =	sdelay $0x1  }
0x99: {  	s19 =	simm.s32 $_scs_section_size  }
0x9a: {  	s4 =	simm.s32 $_size__tile_overlayer_lowered;
	s5 =	simm.s32 $_tile_overlayer_lowered  }
0x9b: {  	s22 =	simm.s32 $0x1BFF;
	s21 =	sshll.u32 s5, $0x1;
	s2 =	sadd.s32 s19, s18  }
0x9c: {  	s6 =	simm.s32 $0x0;
	s20 =	sshll.u32 s4, $0x1;
	s4 =	sadd.s32 s21, s2  }
0x9d: {  	[timem:s6], [sflag:s22] =	dma.local [hbm:s4], s20  }
0x9e: {  	_ =	swait.ge [sflag:s22], s20  }
0x9f: {  	s3 =	ssub.s32 $0x0, s20;
	[sflag:s22] =	ssyncset.done $0x0  }
0xa0: {  	[sflag:s22] =	ssyncadd.s32 s3;
	_ =	sdelay $0x1  }
0xa1: {  	s23 =	simm.s32 $0x1B8B  }
0xa2: {  	_ =	swait.ge [sflag:s23], $0x1  }
0xa3: {  	[sflag:s23] =	ssyncset.done $0x0  }
0xa4: {  	s25 =	simm.s32 $0x1B8E;
	s24 =	sld [smem:$0x3FFE];
	[sflag:s23] =	ssyncadd.s32 $0xFFFFFFFF  }
0xa5: {  	s26 =	simm.s32 $execute0_lowered;
	[smem:$0x3FD2] =	sst s25  }
0xa6: {  	s4 =	sshll.u32 s26, $0x1;
	_ =	strace $0x8000004C;
	[dreg:$0x1] =	wrdreg $0xFFFFFFFF  }
0xa7: {  	s28 =	simm.s32 $_size_execute0_lowered;
	s2 =	sadd.s32 s2, s4;
	[dreg:$0x0] =	wrdreg $0x0  }
0xa8: {  	s4 =	sshll.u32 s28, $0x1;
	[dreg:$0x2] =	wrdreg s2  }
0xa9: {  	[dreg:$0x3] =	wrdreg s4  }
0xaa: {  	[dreg:$0x4] =	wrdreg $0xC0  }
0xab: {  	_ =	task [dreg:s6], $0x5FFFF  }
0xac: {  	[dreg:$0x1] =	wrdreg $0xFFFFFFFF  }
0xad: {  	[dreg:$0x0] =	wrdreg $0x60  }
0xae: {  	[dreg:$0x2] =	wrdreg s24  }
0xaf: {  	[dreg:$0x3] =	wrdreg $0xA8000  }
0xb0: {  	[dreg:$0x4] =	wrdreg $0x9  }
0xb1: {  	_ =	task.clear_ibuf [dreg:s6], $0x5FFFF;
	_ =	strace $0x9000004C  }
0xb2: {  	s29 =	simm.s32 $0x9;
	_ =	strace $0x8000004E  }
0xb3: {  	_ =	swait.ge [sflag:s29], $0x1  }
0xb4: {  	[sflag:s29] =	ssyncadd.s32 $0xFFFFFFFF  }
0xb5: {  	_ =	strace $0x9000004E  }
0xb6: {  	_ =	sfence  }
0xb7: {  	s30 =	sld [smem:$0x0];
	_ =	sdelay $0x2  }
0xb8: {  	s31 =	sshll.u32 s1, $0xD;
	s1 =	sshrl.u32 s1, $0x2  }
0xb9: {  	s3 =	sand.u32 $0x4000, s31;
	s1 =	sadd.s32 s1, s30  }
0xba: {  	s0 =	sor.u32 s3, s0;
	s1 =	sshll.u32 s1, $0x11  }
0xbb: {  	s0 =	sor.u32 s1, s0  }
0xbc: {  	s0 =	sadd.s32 $0x8F2B, s0  }
0xbd: {  	[sflag:s0] =	ssyncadd.remote.s32 $0x1  }
0xbe: {  	_ =	sfence.sel $0xFFFF  }
0xbf: {  	[dreg:$0x0] =	wrdreg $0xFFFFFFFF;
	(pc) =	sbr.abs _section_cstart, $3  }
0xc0: {  	[dreg:$0x1] =	wrdreg $0xFFFFFFFF  }
0xc1: {  	_ =	task.clear_ibuf [dreg:s6], $0x2FFFF;
	_ =	strace $0x9FFFFFFF  }
0xc2: {  	(tm) =	ssettm $0x7FFFFFFF  }
0xc3: {  	_ =	shalt  }
tec
execute0_lowered:
.L_overlay_start_1:
0x0: {  	(tag) =	ssettag $0x1  }
0x1: {  	s5 =	rddreg [dreg:$0x0]  }
0x2: {  	s2 =	rddreg [dreg:$0x1]  }
0x3: {  	s0 =	rddreg [dreg:$0x2];
	s3 =	simm.s32 $0x0;
	s1 =	stileid.u32  }
0x4: {  	s4 =	srdreg.scid;
	s16 =	simm.s32 $0x80;
	s17 =	simm.s32 $0x2800  }
0x5: {  	s18 =	simm.s32 $0x6800;
	s19 =	simm.s32 $0x1;
	s20 =	simm.s32 $0x2  }
0x6: {  	s21 =	simm.s32 $0x3;
	s22 =	simm.s32 $0x4;
	s23 =	simm.s32 $0x0  }
0x7: {  	[smem:$0x7FF] =	sst s3;
	s6 =	smul.u32 $0x13C00, s1;
	s7 =	sand.u32 $0x1, s4  }
0x8: {  	s4 =	sadd.s32 $0x40E00, s5;
	s11 =	sadd.s32 $0x5600, s5;
	s12 =	sadd.s32 $0xF600, s5  }
0x9: {  	s10 =	smul.u32 $0x4F000, s1;
	s30 =	sshll.u32 s1, $0x6;
	_ =	strace $0x8000004D  }
0xa: {  	s8 =	smul.u32 $0x13C000, s7;
	s24 =	sshll.u32 s7, $0x4;
	s25 =	ssub.s32 $0x2, s7  }
0xb: {  	s9 =	sshrl.u32 s6, $0x3;
	s26 =	sor.u32 s1, s24;
	s7 =	sshrl.u32 s25, $0x1  }
0xc: {  	s28 =	sshrl.u32 s10, $0x2;
	s9 =	sadd.s32 s9, s5;
	s6 =	sadd.s32 s6, s8  }
0xd: {  	s29 =	smul.u32 $0x2800, s26;
	s14 =	ssub.s32 s25, s7;
	s15 =	sadd.s32 s28, s2  }
0xe: {  	s6 =	sshrl.u32 s6, $0x3;
	s8 =	smax.u32 s14, $0x1;
	s14 =	simm.s32 $0x5  }
0xf: {  	s13 =	sadd.s32 s6, s5;
	s5 =	sadd.s32 $0x19600, s9;
	s10 =	sshrl.u32 s29, $0x3  }
0x10: {  	s6 =	sor.u32 $0x1C05, s30;
	s7 =	sadd.s32 $0x68000, s13;
	s31 =	sadd.s32 $0x280, s10  }
0x11: {  	s9 =	sadd.s32 s11, s10;
	s10 =	sadd.s32 s12, s10;
	s13 =	sshrl.u32 s15, $0x3  }
0x12: {  	s15 =	simm.s32 $0x1400;
	s11 =	sadd.s32 s11, s31;
	s12 =	sadd.s32 s12, s31  }
.LBB2_1:
0x13: {  	[spmem:s13], [sflag:s6] =	dma.local [hbm:s5], $0x2780  }
0x14: {  	_ =	swait.ge [sflag:s14], $0x2780  }
0x15: {  	[sflag:s14] =	ssyncset.done $0x0  }
0x16: {  	[sflag:s14] =	ssyncadd.s32 $0xFFFFD880  }
0x17: {  	[bflag:$0x0] =	sbarrier.arrive $0xFFFF  }
0x18: {  	[tilespmem:s3], [sflag:$0x5] =	stream.linear.gather [hbm4b:s9+s3], $0x1400, $0x38;
	[tilespmem:$0x1E400] =	vst v63  }
0x19: {  	_ =	swait.ge [sflag:s14], $0x1400  }
0x1a: {  	[sflag:s14] =	ssyncset.done $0x0  }
0x1b: {  	[sflag:s14] =	ssyncadd.s32 $0xFFFFEC00  }
0x1c: {  	[tilespmem:s15], [sflag:$0x5] =	stream.linear.gather [hbm4b:s10+s3], $0x1400, $0x38;
	[tilespmem:$0x1E400] =	vst v63  }
0x1d: {  	_ =	swait.ge [sflag:s14], $0x1400  }
0x1e: {  	[sflag:s14] =	ssyncset.done $0x0  }
0x1f: {  	s24 =	simm.s32 $0x0;
	[sflag:s14] =	ssyncadd.s32 $0xFFFFEC00  }
0x20: {  	[tilespmem:s17], [sflag:$0x1] =	stream.indirect.gather [hbm4b:s4+s16], $0x80, s24, s16, $0xb8;
	[tilespmem:$0x1E400] =	vst v63  }
0x21: {  	s29 =	simm.s32 $0x80  }
0x22: {  	[tilespmem:s18], [sflag:$0x2] =	stream.indirect.gather [hbm4b:s4+s16], $0x80, s29, s16, $0xb8;
	[tilespmem:$0x1E400] =	vst v63  }
0x23: {  	_ =	swait.ge [sflag:s19], $0x4000  }
0x24: {  	[sflag:s19] =	ssyncset.done $0x0  }
0x25: {  	s30 =	simm.s32 $0x1400;
	[sflag:s19] =	ssyncadd.s32 $0xFFFFC000  }
0x26: {  	[spmem:s2] =	stream.indirect.scatter.add.f32 [tilespmem:s17], [sflag:$0x3], $0x80, s30, s16, $0xb8;
	[tilespmem:$0x1E400] =	vst v63  }
0x27: {  	_ =	swait.ge [sflag:s20], $0x4000  }
0x28: {  	[sflag:s20] =	ssyncset.done $0x0  }
0x29: {  	s31 =	simm.s32 $0x1480;
	[sflag:s20] =	ssyncadd.s32 $0xFFFFC000  }
0x2a: {  	[spmem:s2] =	stream.indirect.scatter.add.f32 [tilespmem:s18], [sflag:$0x4], $0x80, s31, s16, $0xb8;
	[tilespmem:$0x1E400] =	vst v63  }
0x2b: {  	_ =	swait.ge [sflag:s21], $0x4000  }
0x2c: {  	[sflag:s21] =	ssyncset.done $0x0  }
0x2d: {  	[sflag:s21] =	ssyncadd.s32 $0xFFFFC000  }
0x2e: {  	_ =	swait.ge [sflag:s22], $0x4000  }
0x2f: {  	s25 =	simm.s32 $0x800;
	s24 =	simm.s32 $0x400;
	[sflag:s22] =	ssyncset.done $0x0  }
.LBB2_2:
0x30: {  	s26 =	sshra.s32 s24, $0x2  }
0x31: {  	[sflag:s22] =	ssyncadd.s32 $0xFFFFC000;
	s24 =	smov.u32 s25;
	s28 =	sadd.s32 $0x400, s25  }
0x32: {  	[tilespmem:s17], [sflag:$0x1] =	stream.indirect.gather [hbm4b:s4+s16], $0x80, s26, s16, $0xb8;
	[tilespmem:$0x1E400] =	vst v63  }
0x33: {  	p0 =	sne.s32 s25, $0x4C00;
	s25 =	sadd.s32 $0x80, s26  }
0x34: {  	[tilespmem:s18], [sflag:$0x2] =	stream.indirect.gather [hbm4b:s4+s16], $0x80, s25, s16, $0xb8;
	[tilespmem:$0x1E400] =	vst v63  }
0x35: {  	_ =	swait.ge [sflag:s19], $0x4000  }
0x36: {  	[sflag:s19] =	ssyncset.done $0x0  }
0x37: {  	s25 =	sadd.s32 $0x1400, s26;
	[sflag:s19] =	ssyncadd.s32 $0xFFFFC000  }
0x38: {  	[spmem:s2] =	stream.indirect.scatter.add.f32 [tilespmem:s17], [sflag:$0x3], $0x80, s25, s16, $0xb8;
	[tilespmem:$0x1E400] =	vst v63  }
0x39: {  	_ =	swait.ge [sflag:s20], $0x4000  }
0x3a: {  	[sflag:s20] =	ssyncset.done $0x0  }
0x3b: {  	s25 =	sadd.s32 $0x1480, s26;
	[sflag:s20] =	ssyncadd.s32 $0xFFFFC000  }
0x3c: {  	[spmem:s2] =	stream.indirect.scatter.add.f32 [tilespmem:s18], [sflag:$0x4], $0x80, s25, s16, $0xb8;
	[tilespmem:$0x1E400] =	vst v63  }
.Ltmp0:
0x3d: {  	_ =	swait.ge [sflag:s21], $0x4000;
	(pc) =	sbr.rel @p0 .LBB2_2-.Ltmp0, $4  }
0x3e: {  	[sflag:s21] =	ssyncset.done $0x0  }
0x3f: {  	[sflag:s21] =	ssyncadd.s32 $0xFFFFC000  }
0x40: {  	_ =	swait.ge [sflag:s22], $0x4000  }
0x41: {  	s25 =	smov.u32 s28;
	[sflag:s22] =	ssyncset.done $0x0  }
0x42: {  	s24 =	sshra.s32 s24, $0x2;
	[sflag:s22] =	ssyncadd.s32 $0xFFFFC000  }
0x43: {  	[tilespmem:s17], [sflag:$0x1] =	stream.indirect.gather [hbm4b:s4+s16], $0x80, s24, s16, $0xb8;
	[tilespmem:$0x1E400] =	vst v63  }
0x44: {  	s25 =	sadd.s32 $0x80, s24  }
0x45: {  	[tilespmem:s18], [sflag:$0x2] =	stream.indirect.gather [hbm4b:s4+s16], $0x80, s25, s16, $0xb8;
	[tilespmem:$0x1E400] =	vst v63  }
0x46: {  	_ =	swait.ge [sflag:s19], $0x4000  }
0x47: {  	[sflag:s19] =	ssyncset.done $0x0  }
0x48: {  	s31 =	sadd.s32 $0x1400, s24;
	[sflag:s19] =	ssyncadd.s32 $0xFFFFC000  }
0x49: {  	[spmem:s2] =	stream.indirect.scatter.add.f32 [tilespmem:s17], [sflag:$0x3], $0x80, s31, s16, $0xb8;
	[tilespmem:$0x1E400] =	vst v63  }
0x4a: {  	_ =	swait.ge [sflag:s20], $0x4000  }
0x4b: {  	[sflag:s20] =	ssyncset.done $0x0  }
0x4c: {  	s24 =	sadd.s32 $0x1480, s24;
	[sflag:s20] =	ssyncadd.s32 $0xFFFFC000  }
0x4d: {  	[spmem:s2] =	stream.indirect.scatter.add.f32 [tilespmem:s18], [sflag:$0x4], $0x80, s24, s16, $0xb8;
	[tilespmem:$0x1E400] =	vst v63  }
0x4e: {  	_ =	swait.ge [sflag:s21], $0x4000  }
0x4f: {  	[sflag:s21] =	ssyncset.done $0x0  }
0x50: {  	[sflag:s21] =	ssyncadd.s32 $0xFFFFC000  }
0x51: {  	_ =	swait.ge [sflag:s22], $0x4000  }
0x52: {  	[sflag:s22] =	ssyncset.done $0x0  }
0x53: {  	s26 =	simm.s32 $0x0;
	[sflag:s22] =	ssyncadd.s32 $0xFFFFC000  }
0x54: {  	[tilespmem:s26], [sflag:$0x5] =	stream.linear.gather [hbm4b:s11+s26], $0x1400, $0x38;
	[tilespmem:$0x1E400] =	vst v63  }
0x55: {  	_ =	swait.ge [sflag:s14], $0x1400  }
0x56: {  	[sflag:s14] =	ssyncset.done $0x0  }
0x57: {  	[sflag:s14] =	ssyncadd.s32 $0xFFFFEC00  }
0x58: {  	[tilespmem:s15], [sflag:$0x5] =	stream.linear.gather [hbm4b:s12+s26], $0x1400, $0x38;
	[tilespmem:$0x1E400] =	vst v63  }
0x59: {  	_ =	swait.ge [sflag:s14], $0x1400  }
0x5a: {  	[sflag:s14] =	ssyncset.done $0x0  }
0x5b: {  	s28 =	simm.s32 $0x0;
	[sflag:s14] =	ssyncadd.s32 $0xFFFFEC00  }
0x5c: {  	[tilespmem:s17], [sflag:$0x1] =	stream.indirect.gather [hbm4b:s4+s16], $0x80, s28, s16, $0xb8;
	[tilespmem:$0x1E400] =	vst v63  }
0x5d: {  	s29 =	simm.s32 $0x80  }
0x5e: {  	[tilespmem:s18], [sflag:$0x2] =	stream.indirect.gather [hbm4b:s4+s16], $0x80, s29, s16, $0xb8;
	[tilespmem:$0x1E400] =	vst v63  }
0x5f: {  	_ =	swait.ge [sflag:s19], $0x4000  }
0x60: {  	[sflag:s19] =	ssyncset.done $0x0  }
0x61: {  	s30 =	simm.s32 $0x1400;
	[sflag:s19] =	ssyncadd.s32 $0xFFFFC000  }
0x62: {  	[spmem:s2] =	stream.indirect.scatter.add.f32 [tilespmem:s17], [sflag:$0x3], $0x80, s30, s16, $0xb8;
	[tilespmem:$0x1E400] =	vst v63  }
0x63: {  	_ =	swait.ge [sflag:s20], $0x4000  }
0x64: {  	[sflag:s20] =	ssyncset.done $0x0  }
0x65: {  	s31 =	simm.s32 $0x1480;
	[sflag:s20] =	ssyncadd.s32 $0xFFFFC000  }
0x66: {  	[spmem:s2] =	stream.indirect.scatter.add.f32 [tilespmem:s18], [sflag:$0x4], $0x80, s31, s16, $0xb8;
	[tilespmem:$0x1E400] =	vst v63  }
0x67: {  	_ =	swait.ge [sflag:s21], $0x4000  }
0x68: {  	[sflag:s21] =	ssyncset.done $0x0  }
0x69: {  	[sflag:s21] =	ssyncadd.s32 $0xFFFFC000  }
0x6a: {  	_ =	swait.ge [sflag:s22], $0x4000  }
0x6b: {  	s25 =	simm.s32 $0x800;
	s24 =	simm.s32 $0x400;
	[sflag:s22] =	ssyncset.done $0x0  }
.LBB2_4:
0x6c: {  	s26 =	sshra.s32 s24, $0x2  }
0x6d: {  	[sflag:s22] =	ssyncadd.s32 $0xFFFFC000;
	s24 =	smov.u32 s25;
	s28 =	sadd.s32 $0x400, s25  }
0x6e: {  	[tilespmem:s17], [sflag:$0x1] =	stream.indirect.gather [hbm4b:s4+s16], $0x80, s26, s16, $0xb8;
	[tilespmem:$0x1E400] =	vst v63  }
0x6f: {  	p0 =	sne.s32 s25, $0x4C00;
	s25 =	sadd.s32 $0x80, s26  }
0x70: {  	[tilespmem:s18], [sflag:$0x2] =	stream.indirect.gather [hbm4b:s4+s16], $0x80, s25, s16, $0xb8;
	[tilespmem:$0x1E400] =	vst v63  }
0x71: {  	_ =	swait.ge [sflag:s19], $0x4000  }
0x72: {  	[sflag:s19] =	ssyncset.done $0x0  }
0x73: {  	s25 =	sadd.s32 $0x1400, s26;
	[sflag:s19] =	ssyncadd.s32 $0xFFFFC000  }
0x74: {  	[spmem:s2] =	stream.indirect.scatter.add.f32 [tilespmem:s17], [sflag:$0x3], $0x80, s25, s16, $0xb8;
	[tilespmem:$0x1E400] =	vst v63  }
0x75: {  	_ =	swait.ge [sflag:s20], $0x4000  }
0x76: {  	[sflag:s20] =	ssyncset.done $0x0  }
0x77: {  	s25 =	sadd.s32 $0x1480, s26;
	[sflag:s20] =	ssyncadd.s32 $0xFFFFC000  }
0x78: {  	[spmem:s2] =	stream.indirect.scatter.add.f32 [tilespmem:s18], [sflag:$0x4], $0x80, s25, s16, $0xb8;
	[tilespmem:$0x1E400] =	vst v63  }
.Ltmp1:
0x79: {  	_ =	swait.ge [sflag:s21], $0x4000;
	(pc) =	sbr.rel @p0 .LBB2_4-.Ltmp1, $4  }
0x7a: {  	[sflag:s21] =	ssyncset.done $0x0  }
0x7b: {  	[sflag:s21] =	ssyncadd.s32 $0xFFFFC000  }
0x7c: {  	_ =	swait.ge [sflag:s22], $0x4000  }
0x7d: {  	s25 =	smov.u32 s28;
	[sflag:s22] =	ssyncset.done $0x0  }
0x7e: {  	s24 =	sshra.s32 s24, $0x2;
	[sflag:s22] =	ssyncadd.s32 $0xFFFFC000  }
0x7f: {  	[tilespmem:s17], [sflag:$0x1] =	stream.indirect.gather [hbm4b:s4+s16], $0x80, s24, s16, $0xb8;
	[tilespmem:$0x1E400] =	vst v63  }
0x80: {  	s25 =	sadd.s32 $0x80, s24  }
0x81: {  	[tilespmem:s18], [sflag:$0x2] =	stream.indirect.gather [hbm4b:s4+s16], $0x80, s25, s16, $0xb8;
	[tilespmem:$0x1E400] =	vst v63  }
0x82: {  	_ =	swait.ge [sflag:s19], $0x4000  }
0x83: {  	[sflag:s19] =	ssyncset.done $0x0  }
0x84: {  	s31 =	sadd.s32 $0x1400, s24;
	[sflag:s19] =	ssyncadd.s32 $0xFFFFC000  }
0x85: {  	[spmem:s2] =	stream.indirect.scatter.add.f32 [tilespmem:s17], [sflag:$0x3], $0x80, s31, s16, $0xb8;
	[tilespmem:$0x1E400] =	vst v63  }
0x86: {  	_ =	swait.ge [sflag:s20], $0x4000  }
0x87: {  	[sflag:s20] =	ssyncset.done $0x0  }
0x88: {  	s24 =	sadd.s32 $0x1480, s24;
	[sflag:s20] =	ssyncadd.s32 $0xFFFFC000  }
0x89: {  	[spmem:s2] =	stream.indirect.scatter.add.f32 [tilespmem:s18], [sflag:$0x4], $0x80, s24, s16, $0xb8;
	[tilespmem:$0x1E400] =	vst v63  }
0x8a: {  	_ =	swait.ge [sflag:s21], $0x4000  }
0x8b: {  	[sflag:s21] =	ssyncset.done $0x0  }
0x8c: {  	[sflag:s21] =	ssyncadd.s32 $0xFFFFC000  }
0x8d: {  	_ =	swait.ge [sflag:s22], $0x4000  }
0x8e: {  	s23 =	sadd.s32 $0x1, s23;
	[sflag:s22] =	ssyncset.done $0x0  }
0x8f: {  	p0 =	sne.s32 s23, s8;
	[sflag:s22] =	ssyncadd.s32 $0xFFFFC000  }
.Ltmp2:
0x90: {  	[bflag:$0x0] =	sbarrier.arrive $0xFFFF;
	(pc) =	sbr.rel @p0 .LBB2_1-.Ltmp2, $4  }
0x91: {  	[hbm:s7], [sflag:s6] =	dma.local [spmem:s13], $0x2780  }
0x92: {  	_ =	swait.ge [sflag:s14], $0x2780  }
0x93: {  	[sflag:s14] =	ssyncset.done $0x0  }
0x94: {  	[sflag:s14] =	ssyncadd.s32 $0xFFFFD880  }
0x95: {  	_ =	sfence.sel $0x180000  }
0x96: {  	[bflag:$0x0] =	sbarrier.arrive $0xFFFF  }
0x97: {  	p0 =	sne.s32 s1, $0x0;
	_ =	strace $0x9000004D  }
0x98: {  	s0 =	sadd.s32 @!p0 $0x100000, s0;
	[bflag:$0x2] =	sbarrier.arrive $0xFFFF  }
0x99: {  	[sflag:s0] =	ssyncadd.tile.s32 @!p0 $0x1;
	_ =	shalt  }
.Lfunc_end2:
_tile_overlayer_lowered:
.L_overlay_start_2:
0x9a: {  	(tag) =	ssettag $0x2  }
0x9b: {  	s0 =	rddreg [dreg:$0x0];
	s2 =	stileid.u32  }
0x9c: {  	s1 =	rddreg [dreg:$0x1];
	p0 =	sne.s32 s2, $0x0  }
0x9d: {  	s3 =	rddreg [dreg:$0x2];
	[bflag:$0x3] =	sbarrier.arrive $0xFFFF;
	s2 =	simm.s32 @!p0 $0x1C05  }
0x9e: {  	[timem:s3], [sflag:s2] =	dma.local @!p0 [hbm:s0], s1  }
0x9f: {  	s0 =	simm.s32 @!p0 $0x5  }
0xa0: {  	_ =	swait.ge @!p0 [sflag:s0], s1  }
0xa1: {  	s1 =	ssub.s32 @!p0 $0x0, s1;
	[sflag:s0] =	ssyncset.done @!p0 $0x0  }
0xa2: {  	[sflag:s0] =	ssyncadd.s32 @!p0 s1  }
0xa3: {  	[bflag:$0x3] =	sbarrier.arrive $0xFFFF  }
0xa4: {  	_ =	shalt  }

// kernel: kernel.8.cloned.1.call-start
scs
__scs_entry_jumppad:
0x0: {  	(pc) =	sbr.rel $0x88, $3  }
0x1: {  	(tag) =	ssettag $0x0;
	lr =	simm.s32 $0x1  }
0x2: {  	[smem:$0x3F88] =	sst lr;
	_ =	strace $0xD0000000  }
0x3: {  	_ = 	snop  }
0x4: {  	_ = 	snop  }
0x5: {  	_ = 	snop  }
0x6: {  	_ = 	snop  }
0x7: {  	_ = 	snop  }
__scs_overlays_trampoline_lowered:
0x8: {  	[smem:$0x3F97] =	sst s0  }
0x9: {  	[smem:$0x3F98] =	sst s1  }
0xa: {  	[smem:$0x3F99] =	sst s2  }
0xb: {  	[smem:$0x3F9A] =	sst s3  }
0xc: {  	[smem:$0x3F9B] =	sst s4  }
0xd: {  	[smem:$0x3F9C] =	sst s5  }
0xe: {  	[smem:$0x3F9D] =	sst s6  }
0xf: {  	[smem:$0x3F9E] =	sst s7  }
0x10: {  	[smem:$0x3F9F] =	sst s8  }
0x11: {  	[smem:$0x3FA0] =	sst s9;
	s0 =	simm.s32 @!p0 $0x0  }
0x12: {  	s1 =	sld [smem:$0x3F86];
	s0 =	simm.s32 @p0 $0x1  }
0x13: {  	[smem:$0x3FA1] =	sst s0;
	s0 =	simm.s32 @!p1 $0x0  }
0x14: {  	s2 =	sld [smem:$0x3F85];
	s0 =	simm.s32 @p1 $0x1  }
0x15: {  	[smem:$0x3FA2] =	sst s0;
	s0 =	simm.s32 @!p2 $0x0  }
0x16: {  	s3 =	sld [smem:$0x3FDB];
	s0 =	simm.s32 @p2 $0x1  }
0x17: {  	s4 =	simm.s32 $0x1BF5;
	[smem:$0x3FA4] =	sst s0  }
0x18: {  	s0 =	sld [smem:$0x3F87];
	_ =	swait.ge [sflag:s4], $0x0  }
0x19: {  	s7 =	sld [smem:$0x3F88]  }
0x1a: {  	s8 =	sadd.s32 $0xFFFFE003, lr  }
0x1b: {  	s9 =	sadd.s32 $0xFFFFFEF7, lr;
	s5 =	simm.s32 $0xFFFFFFFF;
	p2 =	slt.u32 s8, $0xFFFFF086  }
0x1c: {  	p1 =	slt.u32 s9, $0xF7A;
	s5 =	simm.s32 @!p2 $0x0  }
0x1d: {  	s5 =	simm.s32 @p1 $0x1;
	p0 =	seq.s32 s7, s2  }
0x1e: {  	s7 =	smul.u32 @!p0 $0xF7A, s2;
	p2 =	seq.s32 @!p0 s5, $0x0  }
0x1f: {  	s9 =	smul.u32 $0xF7A, s1;
	s8 =	simm.s32 @!p0 $0x1BF5;
	p2 =	por !p2, p0  }
0x20: {  	[sflag:s8] =	ssyncset.s32 @!p0 $0xFFFFF086;
	s6 =	sadd.s32 @!p0 s3, s7;
	s7 =	simm.s32 @!p0 $0x108  }
0x21: {  	s3 =	sadd.s32 s3, s9;
	s6 =	sadd.s32 @!p0 $0x88, s6;
	s7 =	simm.s32 @p2 $0x1082  }
0x22: {  	[simem:s7], [sflag:s8] =	dma.local @!p0 [hbm:s6], $0xF7A  }
0x23: {  	s9 =	sor.u32 $0xD0000000, s2;
	s6 =	simm.s32 $0x108;
	_ =	swait.ge @!p0 [sflag:s8], $0x0  }
0x24: {  	s3 =	sadd.s32 $0x88, s3;
	s6 =	simm.s32 @!p1 $0x1082;
	[sflag:s4] =	ssyncset.s32 $0xFFFFF086  }
0x25: {  	[simem:s6], [sflag:s4] =	dma.local [hbm:s3], $0xF7A  }
0x26: {  	[smem:$0x3F88] =	sst s1;
	(tag) =	ssettag s2;
	_ =	strace s9  }
0x27: {  	s1 =	sld [smem:$0x3F98]  }
0x28: {  	s2 =	sld [smem:$0x3F99]  }
0x29: {  	s4 =	sld [smem:$0x3F9B]  }
0x2a: {  	p0 =	seq.s32 s5, $0x0;
	s5 =	sld [smem:$0x3F9C]  }
0x2b: {  	s6 =	sld [smem:$0x3F9D]  }
0x2c: {  	s7 =	sld [smem:$0x3F9E]  }
0x2d: {  	s3 =	simm.s32 $0x108;
	s8 =	sld [smem:$0x3F9F]  }
0x2e: {  	s3 =	simm.s32 @!p0 $0x1082;
	s9 =	sld [smem:$0x3FA0]  }
0x2f: {  	lr =	sadd.s32 s0, s3;
	s0 =	sld [smem:$0x3F97]  }
0x30: {  	s3 =	sld [smem:$0x3F9A]  }
0x31: {  	[smem:$0x3FA3] =	sst s10  }
0x32: {  	s10 =	sld [smem:$0x3FA1];
	_ =	sdelay $0x3  }
0x33: {  	p0 =	seq.s32 s10, $0x1;
	s10 =	sld [smem:$0x3FA3];
	_ =	sdelay $0x3  }
0x34: {  	[smem:$0x3FA3] =	sst s10  }
0x35: {  	s10 =	sld [smem:$0x3FA2];
	_ =	sdelay $0x3  }
0x36: {  	p1 =	seq.s32 s10, $0x1;
	s10 =	sld [smem:$0x3FA3];
	_ =	sdelay $0x3  }
0x37: {  	[smem:$0x3FA3] =	sst s10  }
0x38: {  	s10 =	sld [smem:$0x3FA4]  }
0x39: {  	_ = 	snop;
	(pc) =	sbr.ind lr, $3  }
0x3a: {  	_ = 	snop  }
0x3b: {  	_ = 	snop  }
0x3c: {  	p2 =	seq.s32 s10, $0x1;
	s10 =	sld [smem:$0x3FA3]  }
0x3d: {  	_ =	shalt  }
0x3e: {  	_ =	shalt  }
0x3f: {  	_ =	shalt  }
0x40: {  	_ =	shalt  }
0x41: {  	_ =	shalt  }
0x42: {  	_ =	shalt  }
0x43: {  	_ =	shalt  }
0x44: {  	_ =	shalt  }
0x45: {  	_ =	shalt  }
0x46: {  	_ =	shalt  }
0x47: {  	_ =	shalt  }
0x48: {  	_ =	shalt  }
0x49: {  	_ =	shalt  }
0x4a: {  	_ =	shalt  }
0x4b: {  	_ =	shalt  }
0x4c: {  	_ =	shalt  }
0x4d: {  	_ =	shalt  }
0x4e: {  	_ =	shalt  }
0x4f: {  	_ =	shalt  }
0x50: {  	_ =	shalt  }
0x51: {  	_ =	shalt  }
0x52: {  	_ =	shalt  }
0x53: {  	_ =	shalt  }
0x54: {  	_ =	shalt  }
0x55: {  	_ =	shalt  }
0x56: {  	_ =	shalt  }
0x57: {  	_ =	shalt  }
0x58: {  	_ =	shalt  }
0x59: {  	_ =	shalt  }
0x5a: {  	_ =	shalt  }
0x5b: {  	_ =	shalt  }
0x5c: {  	_ =	shalt  }
0x5d: {  	_ =	shalt  }
0x5e: {  	_ =	shalt  }
0x5f: {  	_ =	shalt  }
0x60: {  	_ =	shalt  }
0x61: {  	_ =	shalt  }
0x62: {  	_ =	shalt  }
0x63: {  	_ =	shalt  }
0x64: {  	_ =	shalt  }
0x65: {  	_ =	shalt  }
0x66: {  	_ =	shalt  }
0x67: {  	_ =	shalt  }
0x68: {  	_ =	shalt  }
0x69: {  	_ =	shalt  }
0x6a: {  	_ =	shalt  }
0x6b: {  	_ =	shalt  }
0x6c: {  	_ =	shalt  }
0x6d: {  	_ =	shalt  }
0x6e: {  	_ =	shalt  }
0x6f: {  	_ =	shalt  }
0x70: {  	_ =	shalt  }
0x71: {  	_ =	shalt  }
0x72: {  	_ =	shalt  }
0x73: {  	_ =	shalt  }
0x74: {  	_ =	shalt  }
0x75: {  	_ =	shalt  }
0x76: {  	_ =	shalt  }
0x77: {  	_ =	shalt  }
0x78: {  	_ =	shalt  }
0x79: {  	_ =	shalt  }
0x7a: {  	_ =	shalt  }
0x7b: {  	_ =	shalt  }
0x7c: {  	_ =	shalt  }
0x7d: {  	_ =	shalt  }
0x7e: {  	_ =	shalt  }
0x7f: {  	_ =	shalt  }
0x80: {  	_ =	shalt  }
0x81: {  	_ =	shalt  }
0x82: {  	_ =	shalt  }
0x83: {  	_ =	shalt  }
0x84: {  	_ =	shalt  }
0x85: {  	_ =	shalt  }
0x86: {  	_ =	shalt  }
0x87: {  	_ =	shalt  }
.Lfunc_end0:
.L_simem_size_0:
called_computation_lowered:
.L_overlay_start_0:
0x88: {  	s2 =	sld [smem:$0x3FD9]  }
0x89: {  	s3 =	sld [smem:$0x3FFE];
	_ =	sdelay $0x1  }
0x8a: {  	s1 =	srdreg.scid  }
0x8b: {  	s0 =	sand.u32 $0x1, s1  }
0x8c: {  	s17 =	sshll.u32 s0, $0xA;
	s2 =	sadd.s32 s3, s2  }
0x8d: {  	s2 =	sadd.s32 s2, s17  }
0x8e: {  	[smem:$0x3FAF] =	sst s2  }
0x8f: {  	_ = 	snop  }
0x90: {  	s2 =	sld [smem:$0x3FC9];
	(tm) =	ssettm $0x1  }
0x91: {  	s18 =	sld [smem:$0x3FFB];
	_ =	sdelay $0x3  }
0x92: {  	_ =	strace s18  }
0x93: {  	s3 =	sld [smem:$0x3FFC];
	_ =	sdelay $0x3  }
0x94: {  	_ =	strace s3  }
0x95: {  	s3 =	sld [smem:$0x3FFD];
	_ =	sdelay $0x3  }
0x96: {  	_ =	strace s3  }
0x97: {  	_ =	strace $0x8FFFFFFF  }
0x98: {  	s19 =	sld [smem:$0x3FDB];
	_ =	sdelay $0x1  }
0x99: {  	s4 =	simm.s32 $_scs_section_size  }
0x9a: {  	s5 =	simm.s32 $_size__tile_overlayer_lowered;
	s6 =	simm.s32 $_tile_overlayer_lowered  }
0x9b: {  	s22 =	simm.s32 $0x1BFF;
	s21 =	sshll.u32 s6, $0x1;
	s3 =	sadd.s32 s4, s19  }
0x9c: {  	s7 =	simm.s32 $0x0;
	s20 =	sshll.u32 s5, $0x1;
	s5 =	sadd.s32 s21, s3  }
0x9d: {  	[timem:s7], [sflag:s22] =	dma.local [hbm:s5], s20  }
0x9e: {  	_ =	swait.ge [sflag:s22], s20  }
0x9f: {  	s4 =	ssub.s32 $0x0, s20;
	[sflag:s22] =	ssyncset.done $0x0  }
0xa0: {  	[sflag:s22] =	ssyncadd.s32 s4;
	_ =	sdelay $0x1  }
0xa1: {  	s23 =	simm.s32 $0x1B8B  }
0xa2: {  	_ =	swait.ge [sflag:s23], $0x1  }
0xa3: {  	[sflag:s23] =	ssyncset.done $0x0  }
0xa4: {  	s25 =	simm.s32 $0x1B8E;
	s24 =	sld [smem:$0x3FFE];
	[sflag:s23] =	ssyncadd.s32 $0xFFFFFFFF  }
0xa5: {  	s26 =	simm.s32 $execute0_lowered;
	[smem:$0x3FD2] =	sst s25  }
0xa6: {  	s5 =	sshll.u32 s26, $0x1;
	_ =	strace $0x80000046;
	[dreg:$0x1] =	wrdreg $0xFFFFFFFF  }
0xa7: {  	s28 =	simm.s32 $_size_execute0_lowered;
	s3 =	sadd.s32 s3, s5;
	[dreg:$0x0] =	wrdreg $0x0  }
0xa8: {  	s5 =	sshll.u32 s28, $0x1;
	[dreg:$0x2] =	wrdreg s3  }
0xa9: {  	[dreg:$0x3] =	wrdreg s5  }
0xaa: {  	[dreg:$0x4] =	wrdreg $0xC0  }
0xab: {  	_ =	task [dreg:s7], $0x5FFFF  }
0xac: {  	[dreg:$0x1] =	wrdreg $0xFFFFFFFF  }
0xad: {  	[dreg:$0x0] =	wrdreg $0x60  }
0xae: {  	[dreg:$0x2] =	wrdreg s2  }
0xaf: {  	[dreg:$0x3] =	wrdreg s24  }
0xb0: {  	[dreg:$0x4] =	wrdreg $0xA8000  }
0xb1: {  	[dreg:$0x5] =	wrdreg $0x9  }
0xb2: {  	_ =	task.clear_ibuf [dreg:s7], $0x6FFFF;
	_ =	strace $0x90000046  }
0xb3: {  	s29 =	simm.s32 $0x9;
	_ =	strace $0x80000048  }
0xb4: {  	_ =	swait.ge [sflag:s29], $0x1  }
0xb5: {  	[sflag:s29] =	ssyncadd.s32 $0xFFFFFFFF  }
0xb6: {  	_ =	strace $0x90000048  }
0xb7: {  	_ =	sfence  }
0xb8: {  	s30 =	sld [smem:$0x0];
	_ =	sdelay $0x2  }
0xb9: {  	s31 =	sshll.u32 s1, $0xD;
	s1 =	sshrl.u32 s1, $0x2  }
0xba: {  	s3 =	sand.u32 $0x4000, s31;
	s1 =	sadd.s32 s1, s30  }
0xbb: {  	s0 =	sor.u32 s3, s0;
	s1 =	sshll.u32 s1, $0x11  }
0xbc: {  	s0 =	sor.u32 s1, s0  }
0xbd: {  	s0 =	sadd.s32 $0x8F2B, s0  }
0xbe: {  	[sflag:s0] =	ssyncadd.remote.s32 $0x1  }
0xbf: {  	_ =	sfence.sel $0xFFFF  }
0xc0: {  	[dreg:$0x0] =	wrdreg $0xFFFFFFFF;
	(pc) =	sbr.abs _section_cstart, $3  }
0xc1: {  	[dreg:$0x1] =	wrdreg $0xFFFFFFFF  }
0xc2: {  	_ =	task.clear_ibuf [dreg:s7], $0x2FFFF;
	_ =	strace $0x9FFFFFFF  }
0xc3: {  	(tm) =	ssettm $0x7FFFFFFF  }
tec
execute0_lowered:
.L_overlay_start_1:
0x0: {  	(tag) =	ssettag $0x1  }
0x1: {  	s2 =	rddreg [dreg:$0x0]  }
0x2: {  	s5 =	rddreg [dreg:$0x1]  }
0x3: {  	s3 =	rddreg [dreg:$0x2]  }
0x4: {  	s0 =	rddreg [dreg:$0x3];
	s1 =	stileid.u32  }
0x5: {  	s6 =	srdreg.scid;
	s4 =	simm.s32 $0x0;
	s15 =	simm.s32 $0x1400  }
0x6: {  	s16 =	simm.s32 $0x80;
	s17 =	simm.s32 $0x2800;
	s18 =	simm.s32 $0x6800  }
0x7: {  	s19 =	simm.s32 $0x1;
	s20 =	simm.s32 $0x2;
	s21 =	simm.s32 $0x3  }
0x8: {  	s22 =	simm.s32 $0x4;
	s23 =	simm.s32 $0x0;
	s7 =	smul.u32 $0x13C00, s1  }
0x9: {  	s6 =	sand.u32 $0x1, s6;
	[smem:$0x7FF] =	sst s4;
	s11 =	sadd.s32 $0x5600, s5  }
0xa: {  	s12 =	sadd.s32 $0xF600, s5;
	s10 =	smul.u32 $0x4F000, s1;
	s30 =	sshll.u32 s1, $0x6  }
0xb: {  	s8 =	smul.u32 $0x13C000, s6;
	_ =	strace $0x80000047;
	s25 =	sshll.u32 s6, $0x4  }
0xc: {  	s26 =	ssub.s32 $0x2, s6;
	s6 =	sor.u32 $0x1C05, s30;
	s9 =	sshrl.u32 s7, $0x3  }
0xd: {  	s28 =	sor.u32 s1, s25;
	s29 =	sshrl.u32 s26, $0x1;
	s10 =	sshrl.u32 s10, $0x2  }
0xe: {  	s9 =	sadd.s32 s9, s5;
	s7 =	sadd.s32 s7, s8;
	s13 =	smul.u32 $0x2800, s28  }
0xf: {  	s8 =	ssub.s32 s26, s29;
	s14 =	sadd.s32 s10, s3;
	s7 =	sshrl.u32 s7, $0x3  }
0x10: {  	s8 =	smax.u32 s8, $0x1;
	s7 =	sadd.s32 s7, s5;
	s31 =	sshrl.u32 s13, $0x3  }
0x11: {  	s5 =	sadd.s32 $0x19600, s9;
	s7 =	sadd.s32 $0x40E00, s7;
	s13 =	sadd.s32 $0x280, s31  }
0x12: {  	s9 =	sadd.s32 s11, s31;
	s10 =	sadd.s32 s12, s31;
	s11 =	sadd.s32 s11, s13  }
0x13: {  	s12 =	sadd.s32 s12, s13;
	s13 =	sshrl.u32 s14, $0x3;
	s14 =	simm.s32 $0x5  }
.LBB2_1:
0x14: {  	[spmem:s13], [sflag:s6] =	dma.local [hbm:s5], $0x2780  }
0x15: {  	_ =	swait.ge [sflag:s14], $0x2780  }
0x16: {  	[sflag:s14] =	ssyncset.done $0x0  }
0x17: {  	[sflag:s14] =	ssyncadd.s32 $0xFFFFD880  }
0x18: {  	[bflag:$0x0] =	sbarrier.arrive $0xFFFF  }
0x19: {  	[tilespmem:s4], [sflag:$0x5] =	stream.linear.gather [hbm4b:s9+s4], $0x1400, $0x38;
	[tilespmem:$0x1E400] =	vst v63  }
0x1a: {  	_ =	swait.ge [sflag:s14], $0x1400  }
0x1b: {  	[sflag:s14] =	ssyncset.done $0x0  }
0x1c: {  	[sflag:s14] =	ssyncadd.s32 $0xFFFFEC00  }
0x1d: {  	[tilespmem:s15], [sflag:$0x5] =	stream.linear.gather [hbm4b:s10+s4], $0x1400, $0x38;
	[tilespmem:$0x1E400] =	vst v63  }
0x1e: {  	_ =	swait.ge [sflag:s14], $0x1400  }
0x1f: {  	[sflag:s14] =	ssyncset.done $0x0  }
0x20: {  	s24 =	simm.s32 $0x0;
	[sflag:s14] =	ssyncadd.s32 $0xFFFFEC00  }
0x21: {  	[tilespmem:s17], [sflag:$0x1] =	stream.indirect.gather [hbm4b:s2+s16], $0x80, s24, s16, $0xb8;
	[tilespmem:$0x1E400] =	vst v63  }
0x22: {  	s29 =	simm.s32 $0x80  }
0x23: {  	[tilespmem:s18], [sflag:$0x2] =	stream.indirect.gather [hbm4b:s2+s16], $0x80, s29, s16, $0xb8;
	[tilespmem:$0x1E400] =	vst v63  }
0x24: {  	_ =	swait.ge [sflag:s19], $0x4000  }
0x25: {  	[sflag:s19] =	ssyncset.done $0x0  }
0x26: {  	s30 =	simm.s32 $0x1400;
	[sflag:s19] =	ssyncadd.s32 $0xFFFFC000  }
0x27: {  	[spmem:s3] =	stream.indirect.scatter.add.f32 [tilespmem:s17], [sflag:$0x3], $0x80, s30, s16, $0xb8;
	[tilespmem:$0x1E400] =	vst v63  }
0x28: {  	_ =	swait.ge [sflag:s20], $0x4000  }
0x29: {  	[sflag:s20] =	ssyncset.done $0x0  }
0x2a: {  	s31 =	simm.s32 $0x1480;
	[sflag:s20] =	ssyncadd.s32 $0xFFFFC000  }
0x2b: {  	[spmem:s3] =	stream.indirect.scatter.add.f32 [tilespmem:s18], [sflag:$0x4], $0x80, s31, s16, $0xb8;
	[tilespmem:$0x1E400] =	vst v63  }
0x2c: {  	_ =	swait.ge [sflag:s21], $0x4000  }
0x2d: {  	[sflag:s21] =	ssyncset.done $0x0  }
0x2e: {  	[sflag:s21] =	ssyncadd.s32 $0xFFFFC000  }
0x2f: {  	_ =	swait.ge [sflag:s22], $0x4000  }
0x30: {  	s25 =	simm.s32 $0x800;
	s24 =	simm.s32 $0x400;
	[sflag:s22] =	ssyncset.done $0x0  }
.LBB2_2:
0x31: {  	s26 =	sshra.s32 s24, $0x2  }
0x32: {  	[sflag:s22] =	ssyncadd.s32 $0xFFFFC000;
	s24 =	smov.u32 s25;
	s28 =	sadd.s32 $0x400, s25  }
0x33: {  	[tilespmem:s17], [sflag:$0x1] =	stream.indirect.gather [hbm4b:s2+s16], $0x80, s26, s16, $0xb8;
	[tilespmem:$0x1E400] =	vst v63  }
0x34: {  	p0 =	sne.s32 s25, $0x4C00;
	s25 =	sadd.s32 $0x80, s26  }
0x35: {  	[tilespmem:s18], [sflag:$0x2] =	stream.indirect.gather [hbm4b:s2+s16], $0x80, s25, s16, $0xb8;
	[tilespmem:$0x1E400] =	vst v63  }
0x36: {  	_ =	swait.ge [sflag:s19], $0x4000  }
0x37: {  	[sflag:s19] =	ssyncset.done $0x0  }
0x38: {  	s25 =	sadd.s32 $0x1400, s26;
	[sflag:s19] =	ssyncadd.s32 $0xFFFFC000  }
0x39: {  	[spmem:s3] =	stream.indirect.scatter.add.f32 [tilespmem:s17], [sflag:$0x3], $0x80, s25, s16, $0xb8;
	[tilespmem:$0x1E400] =	vst v63  }
0x3a: {  	_ =	swait.ge [sflag:s20], $0x4000  }
0x3b: {  	[sflag:s20] =	ssyncset.done $0x0  }
0x3c: {  	s25 =	sadd.s32 $0x1480, s26;
	[sflag:s20] =	ssyncadd.s32 $0xFFFFC000  }
0x3d: {  	[spmem:s3] =	stream.indirect.scatter.add.f32 [tilespmem:s18], [sflag:$0x4], $0x80, s25, s16, $0xb8;
	[tilespmem:$0x1E400] =	vst v63  }
.Ltmp0:
0x3e: {  	_ =	swait.ge [sflag:s21], $0x4000;
	(pc) =	sbr.rel @p0 .LBB2_2-.Ltmp0, $4  }
0x3f: {  	[sflag:s21] =	ssyncset.done $0x0  }
0x40: {  	[sflag:s21] =	ssyncadd.s32 $0xFFFFC000  }
0x41: {  	_ =	swait.ge [sflag:s22], $0x4000  }
0x42: {  	s25 =	smov.u32 s28;
	[sflag:s22] =	ssyncset.done $0x0  }
0x43: {  	s24 =	sshra.s32 s24, $0x2;
	[sflag:s22] =	ssyncadd.s32 $0xFFFFC000  }
0x44: {  	[tilespmem:s17], [sflag:$0x1] =	stream.indirect.gather [hbm4b:s2+s16], $0x80, s24, s16, $0xb8;
	[tilespmem:$0x1E400] =	vst v63  }
0x45: {  	s25 =	sadd.s32 $0x80, s24  }
0x46: {  	[tilespmem:s18], [sflag:$0x2] =	stream.indirect.gather [hbm4b:s2+s16], $0x80, s25, s16, $0xb8;
	[tilespmem:$0x1E400] =	vst v63  }
0x47: {  	_ =	swait.ge [sflag:s19], $0x4000  }
0x48: {  	[sflag:s19] =	ssyncset.done $0x0  }
0x49: {  	s31 =	sadd.s32 $0x1400, s24;
	[sflag:s19] =	ssyncadd.s32 $0xFFFFC000  }
0x4a: {  	[spmem:s3] =	stream.indirect.scatter.add.f32 [tilespmem:s17], [sflag:$0x3], $0x80, s31, s16, $0xb8;
	[tilespmem:$0x1E400] =	vst v63  }
0x4b: {  	_ =	swait.ge [sflag:s20], $0x4000  }
0x4c: {  	[sflag:s20] =	ssyncset.done $0x0  }
0x4d: {  	s24 =	sadd.s32 $0x1480, s24;
	[sflag:s20] =	ssyncadd.s32 $0xFFFFC000  }
0x4e: {  	[spmem:s3] =	stream.indirect.scatter.add.f32 [tilespmem:s18], [sflag:$0x4], $0x80, s24, s16, $0xb8;
	[tilespmem:$0x1E400] =	vst v63  }
0x4f: {  	_ =	swait.ge [sflag:s21], $0x4000  }
0x50: {  	[sflag:s21] =	ssyncset.done $0x0  }
0x51: {  	[sflag:s21] =	ssyncadd.s32 $0xFFFFC000  }
0x52: {  	_ =	swait.ge [sflag:s22], $0x4000  }
0x53: {  	[sflag:s22] =	ssyncset.done $0x0  }
0x54: {  	s26 =	simm.s32 $0x0;
	[sflag:s22] =	ssyncadd.s32 $0xFFFFC000  }
0x55: {  	[tilespmem:s26], [sflag:$0x5] =	stream.linear.gather [hbm4b:s11+s26], $0x1400, $0x38;
	[tilespmem:$0x1E400] =	vst v63  }
0x56: {  	_ =	swait.ge [sflag:s14], $0x1400  }
0x57: {  	[sflag:s14] =	ssyncset.done $0x0  }
0x58: {  	[sflag:s14] =	ssyncadd.s32 $0xFFFFEC00  }
0x59: {  	[tilespmem:s15], [sflag:$0x5] =	stream.linear.gather [hbm4b:s12+s26], $0x1400, $0x38;
	[tilespmem:$0x1E400] =	vst v63  }
0x5a: {  	_ =	swait.ge [sflag:s14], $0x1400  }
0x5b: {  	[sflag:s14] =	ssyncset.done $0x0  }
0x5c: {  	s28 =	simm.s32 $0x0;
	[sflag:s14] =	ssyncadd.s32 $0xFFFFEC00  }
0x5d: {  	[tilespmem:s17], [sflag:$0x1] =	stream.indirect.gather [hbm4b:s2+s16], $0x80, s28, s16, $0xb8;
	[tilespmem:$0x1E400] =	vst v63  }
0x5e: {  	s29 =	simm.s32 $0x80  }
0x5f: {  	[tilespmem:s18], [sflag:$0x2] =	stream.indirect.gather [hbm4b:s2+s16], $0x80, s29, s16, $0xb8;
	[tilespmem:$0x1E400] =	vst v63  }
0x60: {  	_ =	swait.ge [sflag:s19], $0x4000  }
0x61: {  	[sflag:s19] =	ssyncset.done $0x0  }
0x62: {  	s30 =	simm.s32 $0x1400;
	[sflag:s19] =	ssyncadd.s32 $0xFFFFC000  }
0x63: {  	[spmem:s3] =	stream.indirect.scatter.add.f32 [tilespmem:s17], [sflag:$0x3], $0x80, s30, s16, $0xb8;
	[tilespmem:$0x1E400] =	vst v63  }
0x64: {  	_ =	swait.ge [sflag:s20], $0x4000  }
0x65: {  	[sflag:s20] =	ssyncset.done $0x0  }
0x66: {  	s31 =	simm.s32 $0x1480;
	[sflag:s20] =	ssyncadd.s32 $0xFFFFC000  }
0x67: {  	[spmem:s3] =	stream.indirect.scatter.add.f32 [tilespmem:s18], [sflag:$0x4], $0x80, s31, s16, $0xb8;
	[tilespmem:$0x1E400] =	vst v63  }
0x68: {  	_ =	swait.ge [sflag:s21], $0x4000  }
0x69: {  	[sflag:s21] =	ssyncset.done $0x0  }
0x6a: {  	[sflag:s21] =	ssyncadd.s32 $0xFFFFC000  }
0x6b: {  	_ =	swait.ge [sflag:s22], $0x4000  }
0x6c: {  	s25 =	simm.s32 $0x800;
	s24 =	simm.s32 $0x400;
	[sflag:s22] =	ssyncset.done $0x0  }
.LBB2_4:
0x6d: {  	s26 =	sshra.s32 s24, $0x2  }
0x6e: {  	[sflag:s22] =	ssyncadd.s32 $0xFFFFC000;
	s24 =	smov.u32 s25;
	s28 =	sadd.s32 $0x400, s25  }
0x6f: {  	[tilespmem:s17], [sflag:$0x1] =	stream.indirect.gather [hbm4b:s2+s16], $0x80, s26, s16, $0xb8;
	[tilespmem:$0x1E400] =	vst v63  }
0x70: {  	p0 =	sne.s32 s25, $0x4C00;
	s25 =	sadd.s32 $0x80, s26  }
0x71: {  	[tilespmem:s18], [sflag:$0x2] =	stream.indirect.gather [hbm4b:s2+s16], $0x80, s25, s16, $0xb8;
	[tilespmem:$0x1E400] =	vst v63  }
0x72: {  	_ =	swait.ge [sflag:s19], $0x4000  }
0x73: {  	[sflag:s19] =	ssyncset.done $0x0  }
0x74: {  	s25 =	sadd.s32 $0x1400, s26;
	[sflag:s19] =	ssyncadd.s32 $0xFFFFC000  }
0x75: {  	[spmem:s3] =	stream.indirect.scatter.add.f32 [tilespmem:s17], [sflag:$0x3], $0x80, s25, s16, $0xb8;
	[tilespmem:$0x1E400] =	vst v63  }
0x76: {  	_ =	swait.ge [sflag:s20], $0x4000  }
0x77: {  	[sflag:s20] =	ssyncset.done $0x0  }
0x78: {  	s25 =	sadd.s32 $0x1480, s26;
	[sflag:s20] =	ssyncadd.s32 $0xFFFFC000  }
0x79: {  	[spmem:s3] =	stream.indirect.scatter.add.f32 [tilespmem:s18], [sflag:$0x4], $0x80, s25, s16, $0xb8;
	[tilespmem:$0x1E400] =	vst v63  }
.Ltmp1:
0x7a: {  	_ =	swait.ge [sflag:s21], $0x4000;
	(pc) =	sbr.rel @p0 .LBB2_4-.Ltmp1, $4  }
0x7b: {  	[sflag:s21] =	ssyncset.done $0x0  }
0x7c: {  	[sflag:s21] =	ssyncadd.s32 $0xFFFFC000  }
0x7d: {  	_ =	swait.ge [sflag:s22], $0x4000  }
0x7e: {  	s25 =	smov.u32 s28;
	[sflag:s22] =	ssyncset.done $0x0  }
0x7f: {  	s24 =	sshra.s32 s24, $0x2;
	[sflag:s22] =	ssyncadd.s32 $0xFFFFC000  }
0x80: {  	[tilespmem:s17], [sflag:$0x1] =	stream.indirect.gather [hbm4b:s2+s16], $0x80, s24, s16, $0xb8;
	[tilespmem:$0x1E400] =	vst v63  }
0x81: {  	s25 =	sadd.s32 $0x80, s24  }
0x82: {  	[tilespmem:s18], [sflag:$0x2] =	stream.indirect.gather [hbm4b:s2+s16], $0x80, s25, s16, $0xb8;
	[tilespmem:$0x1E400] =	vst v63  }
0x83: {  	_ =	swait.ge [sflag:s19], $0x4000  }
0x84: {  	[sflag:s19] =	ssyncset.done $0x0  }
0x85: {  	s31 =	sadd.s32 $0x1400, s24;
	[sflag:s19] =	ssyncadd.s32 $0xFFFFC000  }
0x86: {  	[spmem:s3] =	stream.indirect.scatter.add.f32 [tilespmem:s17], [sflag:$0x3], $0x80, s31, s16, $0xb8;
	[tilespmem:$0x1E400] =	vst v63  }
0x87: {  	_ =	swait.ge [sflag:s20], $0x4000  }
0x88: {  	[sflag:s20] =	ssyncset.done $0x0  }
0x89: {  	s24 =	sadd.s32 $0x1480, s24;
	[sflag:s20] =	ssyncadd.s32 $0xFFFFC000  }
0x8a: {  	[spmem:s3] =	stream.indirect.scatter.add.f32 [tilespmem:s18], [sflag:$0x4], $0x80, s24, s16, $0xb8;
	[tilespmem:$0x1E400] =	vst v63  }
0x8b: {  	_ =	swait.ge [sflag:s21], $0x4000  }
0x8c: {  	[sflag:s21] =	ssyncset.done $0x0  }
0x8d: {  	[sflag:s21] =	ssyncadd.s32 $0xFFFFC000  }
0x8e: {  	_ =	swait.ge [sflag:s22], $0x4000  }
0x8f: {  	s23 =	sadd.s32 $0x1, s23;
	[sflag:s22] =	ssyncset.done $0x0  }
0x90: {  	p0 =	sne.s32 s23, s8;
	[sflag:s22] =	ssyncadd.s32 $0xFFFFC000  }
.Ltmp2:
0x91: {  	[bflag:$0x0] =	sbarrier.arrive $0xFFFF;
	(pc) =	sbr.rel @p0 .LBB2_1-.Ltmp2, $4  }
0x92: {  	[hbm:s7], [sflag:s6] =	dma.local [spmem:s13], $0x2780  }
0x93: {  	_ =	swait.ge [sflag:s14], $0x2780  }
0x94: {  	[sflag:s14] =	ssyncset.done $0x0  }
0x95: {  	[sflag:s14] =	ssyncadd.s32 $0xFFFFD880  }
0x96: {  	_ =	sfence.sel $0x180000  }
0x97: {  	[bflag:$0x0] =	sbarrier.arrive $0xFFFF  }
0x98: {  	p0 =	sne.s32 s1, $0x0;
	_ =	strace $0x90000047  }
0x99: {  	s0 =	sadd.s32 @!p0 $0x100000, s0;
	[bflag:$0x2] =	sbarrier.arrive $0xFFFF  }
0x9a: {  	[sflag:s0] =	ssyncadd.tile.s32 @!p0 $0x1;
	_ =	shalt  }
.Lfunc_end2:
_tile_overlayer_lowered:
.L_overlay_start_2:
0x9b: {  	(tag) =	ssettag $0x2  }
0x9c: {  	s0 =	rddreg [dreg:$0x0];
	s2 =	stileid.u32  }
0x9d: {  	s1 =	rddreg [dreg:$0x1];
	p0 =	sne.s32 s2, $0x0  }
0x9e: {  	s3 =	rddreg [dreg:$0x2];
	[bflag:$0x3] =	sbarrier.arrive $0xFFFF;
	s2 =	simm.s32 @!p0 $0x1C05  }
0x9f: {  	[timem:s3], [sflag:s2] =	dma.local @!p0 [hbm:s0], s1  }
0xa0: {  	s0 =	simm.s32 @!p0 $0x5  }
0xa1: {  	_ =	swait.ge @!p0 [sflag:s0], s1  }
0xa2: {  	s1 =	ssub.s32 @!p0 $0x0, s1;
	[sflag:s0] =	ssyncset.done @!p0 $0x0  }
0xa3: {  	[sflag:s0] =	ssyncadd.s32 @!p0 s1  }
0xa4: {  	[bflag:$0x3] =	sbarrier.arrive $0xFFFF  }
0xa5: {  	_ =	shalt  }

</sc_bundles>
